<compile_context>
chip_gen: v7x
topology: tpu7x:2x2x1
jax: 0.10.2.dev20260603
libtpu: 0.0.44.dev20260713+nightly
codegen_flags: <defaults>
</compile_context>

<pallas_src>
import jax
import jax.numpy as jnp
from jax import lax
from jax.experimental import pallas as pl
from jax.experimental.pallas import tpu as pltpu
from jax.experimental.pallas import tpu_sc as plsc


_SZ = 20
_F = 384
_BS, _DH, _DW = 32, 32, 32
_NS = 16
_LN = 16


def _sc_interp_body(row_hbm, col_hbm, out_hbm, blk, xa_v, xb_v, ya_v, yb_v, sem):
    w = lax.axis_index("c") * _NS + lax.axis_index("s")

    t = jnp.maximum(40 * w - 12, 0)
    i0s = jnp.minimum(t // 64, _SZ - 1)
    i1s = jnp.minimum(i0s + 1, _SZ - 1)
    frac = t.astype(jnp.float32) * (1.0 / 64.0) - i0s.astype(jnp.float32)
    w1v = jnp.full((_LN,), 1.0, jnp.float32) * frac
    w0v = 1.0 - w1v

    cps = [pltpu.async_copy(col_hbm.at[i0s], xa_v, sem),
           pltpu.async_copy(col_hbm.at[i1s], xb_v, sem),
           pltpu.async_copy(row_hbm.at[i0s], ya_v, sem),
           pltpu.async_copy(row_hbm.at[i1s], yb_v, sem)]
    for cp in cps:
        cp.wait()

    for k in range(_F // _LN):
        xv = w0v * xa_v[pl.ds(k * _LN, _LN)] + w1v * xb_v[pl.ds(k * _LN, _LN)]
        yv = w0v * ya_v[pl.ds(k * _LN, _LN)] + w1v * yb_v[pl.ds(k * _LN, _LN)]
        blk[pl.ds(k * _LN, _LN)] = xv
        blk[pl.ds(_F + k * _LN, _LN)] = yv

    pltpu.sync_copy(blk, out_hbm.at[w])


def _bcast_body(interp_ref, out_ref):
    xi = interp_ref[:, 0:_F]
    yi = interp_ref[:, _F:2 * _F]
    first = jnp.broadcast_to(xi[None, :, :], (_DH, _DW, _F)).reshape(
        _DH * _DW, _F)
    second = jnp.broadcast_to(yi[:, None, :], (_DH, _DW, _F)).reshape(
        _DH * _DW, _F)
    table = jnp.concatenate([first, second], axis=1)
    out_ref[...] = jnp.broadcast_to(table[None], out_ref.shape)


def kernel(row_w, col_w, bs, dh, dw):
    del bs, dh, dw

    sc_interp = pl.kernel(
        _sc_interp_body,
        out_type=jax.ShapeDtypeStruct((_DH, 2 * _F), jnp.float32),
        mesh=plsc.VectorSubcoreMesh(core_axis_name="c", subcore_axis_name="s"),
        scratch_types=[
            pltpu.VMEM((2 * _F,), jnp.float32),
            pltpu.VMEM((_F,), jnp.float32),
            pltpu.VMEM((_F,), jnp.float32),
            pltpu.VMEM((_F,), jnp.float32),
            pltpu.VMEM((_F,), jnp.float32),
            pltpu.SemaphoreType.DMA,
        ],
        compiler_params=pltpu.CompilerParams(use_tc_tiling_on_sc=True),
    )
    interp = sc_interp(row_w, col_w)

    _BB = 4
    out = pl.pallas_call(
        _bcast_body,
        grid=(_BS // _BB,),
        in_specs=[pl.BlockSpec((_DH, 2 * _F), lambda b: (0, 0))],
        out_specs=pl.BlockSpec((_BB, _DH * _DW, 2 * _F), lambda b: (b, 0, 0)),
        out_shape=jax.ShapeDtypeStruct((_BS, _DH * _DW, 2 * _F), jnp.float32),
    )(interp)
    return out.transpose(0, 2, 1).reshape(_BS, 2 * _F, _DH, _DW)

# --- scband reference (transcript-rebuilt; emitter-appended) ---
"""Pipeline reference for scband-position-embedding-learned-31473520345578 (READ-ONLY COPY).

The authoritative reference and input builder live on the scoring server;
editing this copy changes nothing except your own understanding.
"""

import jax, jax.numpy as jnp
import numpy as np


def _src(out_size, in_size):
    # torch F.interpolate bilinear, align_corners=False source index computation
    o = jnp.arange(out_size, dtype=jnp.float32)
    s = (o + 0.5) * (float(in_size) / float(out_size)) - 0.5
    s = jnp.maximum(s, 0.0)
    s0 = jnp.floor(s)
    frac = s - s0
    i0 = jnp.clip(s0.astype(jnp.int32), 0, in_size - 1)
    i1 = jnp.clip(s0.astype(jnp.int32) + 1, 0, in_size - 1)
    return i0, i1, frac


def _bilinear(x, dh, dw):
    # x: [B, C, H, W] -> [B, C, dh, dw]
    i0, i1, fh = _src(dh, x.shape[2])
    j0, j1, fw = _src(dw, x.shape[3])
    top = jnp.take(x, i0, axis=2)
    bot = jnp.take(x, i1, axis=2)
    v = top * (1.0 - fh)[None, None, :, None] + bot * fh[None, None, :, None]
    left = jnp.take(v, j0, axis=3)
    right = jnp.take(v, j1, axis=3)
    return left * (1.0 - fw)[None, None, None, :] + right * fw[None, None, None, :]


def setup_inputs(seed: int = 0) -> dict:
    key = jax.random.key(seed)
    k1, k2 = jax.random.split(key)
    sz, num_pos_feats = 20, 384
    # nn.init.uniform_ -> U[0, 1)
    row_w = jax.random.uniform(k1, (sz, num_pos_feats), dtype=jnp.float32)
    col_w = jax.random.uniform(k2, (sz, num_pos_feats), dtype=jnp.float32)
    return {"row_w": row_w, "col_w": col_w, "bs": 32, "dh": 32, "dw": 32}


def reference(row_w, col_w, bs, dh, dw):
    sz, F = row_w.shape
    h, w = sz, sz
    BS, DH, DW = 32, 32, 32
    i = jnp.arange(w)
    j = jnp.arange(h)
    x_emb = jnp.take(col_w, i, axis=0)  # [w, F]
    y_emb = jnp.take(row_w, j, axis=0)  # [h, F]
    pos = jnp.concatenate([
        jnp.broadcast_to(x_emb[None, :, :], (h, w, F)),
        jnp.broadcast_to(y_emb[:, None, :], (h, w, F)),
    ], axis=-1)  # [h, w, 2F]
    pos = jnp.transpose(pos, (2, 0, 1))[None]  # [1, 2F, h, w]
    pos = jnp.broadcast_to(pos, (BS, 2 * F, h, w)).astype(jnp.float32)
    out = _bilinear(pos, DH, DW)
    zero = (jnp.asarray(bs) * 0 + jnp.asarray(dh) * 0 + jnp.asarray(dw) * 0).astype(out.dtype)
    return out + zero

if __name__ == "__main__":
    import jax
    _d = setup_inputs()
    print(jax.jit(kernel)(*tuple(_d.values())))

</pallas_src>

<mosaic_0001>
#map = affine_map<(d0, d1) -> (0, 0)>
module attributes {stable_mosaic.version = 14 : i64} {
  func.func @_sc_interp_body(%arg0: i32, %arg1: i32, %arg2: memref<20x384xf32, #tpu.memory_space<hbm>>, %arg3: memref<20x384xf32, #tpu.memory_space<hbm>>, %arg4: memref<32x768xf32, #tpu.memory_space<hbm>>, %arg5: memref<768xf32, #tpu.memory_space<vmem>>, %arg6: memref<384xf32, #tpu.memory_space<vmem>>, %arg7: memref<384xf32, #tpu.memory_space<vmem>>, %arg8: memref<384xf32, #tpu.memory_space<vmem>>, %arg9: memref<384xf32, #tpu.memory_space<vmem>>, %arg10: memref<!tpu.dma_semaphore, #tpu.memory_space<semaphore_mem>>) attributes {dimension_semantics = [#tpu.dimension_semantics<core_parallel>, #tpu.dimension_semantics<subcore_parallel>], iteration_bounds = array<i64: 2, 16>, scalar_prefetch = 0 : i64, scratch_operands = 6 : i64, tpu.core_type = #tpu.core_type<sc_vector_subcore>, window_params = [{transform_indices = #map}, {transform_indices = #map}, {transform_indices = #map}]} {
    %mul3A = arith.constant 16 : i32
    %mul3A_0 = arith.muli %arg0, %mul3A : i32
    %add3A = arith.addi %mul3A_0, %arg1 : i32
    %mul3A_1 = arith.constant 40 : i32
    %mul3A_2 = arith.muli %mul3A_1, %add3A : i32
    %sub3A = arith.constant 12 : i32
    %sub3A_3 = arith.subi %mul3A_2, %sub3A : i32
    %max3A = arith.constant 0 : i32
    %max3A_4 = arith.maxsi %sub3A_3, %max3A : i32
    %jit3A = arith.constant 64 : i32
    %div3A = arith.divsi %max3A_4, %jit3A : i32
    %sign3A = arith.constant 0 : i32
    %sign3A_5 = arith.cmpi sgt, %max3A_4, %sign3A : i32
    %sign3A_6 = arith.extui %sign3A_5 : i1 to i32
    %sign3A_7 = arith.constant 0 : i32
    %sign3A_8 = arith.cmpi slt, %max3A_4, %sign3A_7 : i32
    %sign3A_9 = arith.extui %sign3A_8 : i1 to i32
    %sign3A_10 = arith.subi %sign3A_6, %sign3A_9 : i32
    %sign3A_11 = arith.constant 0 : i32
    %sign3A_12 = arith.cmpi sgt, %jit3A, %sign3A_11 : i32
    %sign3A_13 = arith.extui %sign3A_12 : i1 to i32
    %sign3A_14 = arith.constant 0 : i32
    %sign3A_15 = arith.cmpi slt, %jit3A, %sign3A_14 : i32
    %sign3A_16 = arith.extui %sign3A_15 : i1 to i32
    %sign3A_17 = arith.subi %sign3A_13, %sign3A_16 : i32
    %ne3A = arith.cmpi ne, %sign3A_10, %sign3A_17 : i32
    %rem3A = arith.remsi %max3A_4, %jit3A : i32
    %ne3A_18 = arith.constant 0 : i32
    %ne3A_19 = arith.cmpi ne, %rem3A, %ne3A_18 : i32
    %and3A = arith.andi %ne3A, %ne3A_19 : i1
    %sub3A_20 = arith.constant 1 : i32
    %sub3A_21 = arith.subi %div3A, %sub3A_20 : i32
    %select_n3A = arith.select %and3A, %sub3A_21, %div3A : i32
    %min3A = arith.constant 19 : i32
    %min3A_22 = arith.minsi %select_n3A, %min3A : i32
    %add3A_23 = arith.constant 1 : i32
    %add3A_24 = arith.addi %min3A_22, %add3A_23 : i32
    %min3A_25 = arith.constant 19 : i32
    %min3A_26 = arith.minsi %add3A_24, %min3A_25 : i32
    %convert_element_type3A = arith.sitofp %max3A_4 : i32 to f32
    %mul3A_27 = arith.constant 1.562500e-02 : f32
    %mul3A_28 = arith.mulf %convert_element_type3A, %mul3A_27 : f32
    %convert_element_type3A_29 = arith.sitofp %min3A_22 : i32 to f32
    %sub3A_30 = arith.subf %mul3A_28, %convert_element_type3A_29 : f32
    %broadcast_in_dim3A = arith.constant 1.000000e+00 : f32
    %broadcast_in_dim3A_31 = vector.broadcast %broadcast_in_dim3A : f32 to vector<16xf32>
    %mul3A_32 = vector.broadcast %sub3A_30 : f32 to vector<16xf32>
    %mul3A_33 = arith.mulf %broadcast_in_dim3A_31, %mul3A_32 : vector<16xf32>
    %sub3A_34 = arith.constant 1.000000e+00 : f32
    %sub3A_35 = vector.broadcast %sub3A_34 : f32 to vector<16xf32>
    %sub3A_36 = arith.subf %sub3A_35, %mul3A_33 : vector<16xf32>
    %dma_start3A = arith.constant 0 : i32
    %dma_start3A_37 = tpu.memref_slice %arg3[%min3A_22, %dma_start3A] : memref<20x384xf32, #tpu.memory_space<hbm>> -> memref<1x384xf32, #tpu.memory_space<hbm>>
    %dma_start3A_38 = tpu.memref_squeeze %dma_start3A_37 : memref<1x384xf32, #tpu.memory_space<hbm>> -> memref<384xf32, #tpu.memory_space<hbm>>
    %dma_start3A_39 = arith.constant 0 : i32
    %dma_start3A_40 = tpu.memref_slice %arg3[%min3A_22, %dma_start3A_39] : memref<20x384xf32, #tpu.memory_space<hbm>> -> memref<1x384xf32, #tpu.memory_space<hbm>>
    %dma_start3A_41 = tpu.memref_squeeze %dma_start3A_40 : memref<1x384xf32, #tpu.memory_space<hbm>> -> memref<384xf32, #tpu.memory_space<hbm>>
    tpu.enqueue_dma source(%dma_start3A_41 : memref<384xf32, #tpu.memory_space<hbm>>) target(%arg6 : memref<384xf32, #tpu.memory_space<vmem>>) target_semaphore(%arg10 : memref<!tpu.dma_semaphore, #tpu.memory_space<semaphore_mem>>)
    %dma_start3A_42 = arith.constant 0 : i32
    %dma_start3A_43 = tpu.memref_slice %arg3[%min3A_26, %dma_start3A_42] : memref<20x384xf32, #tpu.memory_space<hbm>> -> memref<1x384xf32, #tpu.memory_space<hbm>>
    %dma_start3A_44 = tpu.memref_squeeze %dma_start3A_43 : memref<1x384xf32, #tpu.memory_space<hbm>> -> memref<384xf32, #tpu.memory_space<hbm>>
    %dma_start3A_45 = arith.constant 0 : i32
    %dma_start3A_46 = tpu.memref_slice %arg3[%min3A_26, %dma_start3A_45] : memref<20x384xf32, #tpu.memory_space<hbm>> -> memref<1x384xf32, #tpu.memory_space<hbm>>
    %dma_start3A_47 = tpu.memref_squeeze %dma_start3A_46 : memref<1x384xf32, #tpu.memory_space<hbm>> -> memref<384xf32, #tpu.memory_space<hbm>>
    tpu.enqueue_dma source(%dma_start3A_47 : memref<384xf32, #tpu.memory_space<hbm>>) target(%arg7 : memref<384xf32, #tpu.memory_space<vmem>>) target_semaphore(%arg10 : memref<!tpu.dma_semaphore, #tpu.memory_space<semaphore_mem>>)
    %dma_start3A_48 = arith.constant 0 : i32
    %dma_start3A_49 = tpu.memref_slice %arg2[%min3A_22, %dma_start3A_48] : memref<20x384xf32, #tpu.memory_space<hbm>> -> memref<1x384xf32, #tpu.memory_space<hbm>>
    %dma_start3A_50 = tpu.memref_squeeze %dma_start3A_49 : memref<1x384xf32, #tpu.memory_space<hbm>> -> memref<384xf32, #tpu.memory_space<hbm>>
    %dma_start3A_51 = arith.constant 0 : i32
    %dma_start3A_52 = tpu.memref_slice %arg2[%min3A_22, %dma_start3A_51] : memref<20x384xf32, #tpu.memory_space<hbm>> -> memref<1x384xf32, #tpu.memory_space<hbm>>
    %dma_start3A_53 = tpu.memref_squeeze %dma_start3A_52 : memref<1x384xf32, #tpu.memory_space<hbm>> -> memref<384xf32, #tpu.memory_space<hbm>>
    tpu.enqueue_dma source(%dma_start3A_53 : memref<384xf32, #tpu.memory_space<hbm>>) target(%arg8 : memref<384xf32, #tpu.memory_space<vmem>>) target_semaphore(%arg10 : memref<!tpu.dma_semaphore, #tpu.memory_space<semaphore_mem>>)
    %dma_start3A_54 = arith.constant 0 : i32
    %dma_start3A_55 = tpu.memref_slice %arg2[%min3A_26, %dma_start3A_54] : memref<20x384xf32, #tpu.memory_space<hbm>> -> memref<1x384xf32, #tpu.memory_space<hbm>>
    %dma_start3A_56 = tpu.memref_squeeze %dma_start3A_55 : memref<1x384xf32, #tpu.memory_space<hbm>> -> memref<384xf32, #tpu.memory_space<hbm>>
    %dma_start3A_57 = arith.constant 0 : i32
    %dma_start3A_58 = tpu.memref_slice %arg2[%min3A_26, %dma_start3A_57] : memref<20x384xf32, #tpu.memory_space<hbm>> -> memref<1x384xf32, #tpu.memory_space<hbm>>
    %dma_start3A_59 = tpu.memref_squeeze %dma_start3A_58 : memref<1x384xf32, #tpu.memory_space<hbm>> -> memref<384xf32, #tpu.memory_space<hbm>>
    tpu.enqueue_dma source(%dma_start3A_59 : memref<384xf32, #tpu.memory_space<hbm>>) target(%arg9 : memref<384xf32, #tpu.memory_space<vmem>>) target_semaphore(%arg10 : memref<!tpu.dma_semaphore, #tpu.memory_space<semaphore_mem>>)
    %dma_wait3A = arith.constant 0 : i32
    %dma_wait3A_60 = tpu.memref_slice %arg3[%min3A_22, %dma_wait3A] : memref<20x384xf32, #tpu.memory_space<hbm>> -> memref<1x384xf32, #tpu.memory_space<hbm>>
    %dma_wait3A_61 = tpu.memref_squeeze %dma_wait3A_60 : memref<1x384xf32, #tpu.memory_space<hbm>> -> memref<384xf32, #tpu.memory_space<hbm>>
    %dma_wait3A_62 = arith.constant 0 : i32
    %dma_wait3A_63 = tpu.memref_slice %arg3[%min3A_22, %dma_wait3A_62] : memref<20x384xf32, #tpu.memory_space<hbm>> -> memref<1x384xf32, #tpu.memory_space<hbm>>
    %dma_wait3A_64 = tpu.memref_squeeze %dma_wait3A_63 : memref<1x384xf32, #tpu.memory_space<hbm>> -> memref<384xf32, #tpu.memory_space<hbm>>
    tpu.wait_dma2 semaphore(%arg10 : memref<!tpu.dma_semaphore, #tpu.memory_space<semaphore_mem>>) src(%dma_wait3A_64 : memref<384xf32, #tpu.memory_space<hbm>>) dst(%arg6 : memref<384xf32, #tpu.memory_space<vmem>>)
    %dma_wait3A_65 = arith.constant 0 : i32
    %dma_wait3A_66 = tpu.memref_slice %arg3[%min3A_26, %dma_wait3A_65] : memref<20x384xf32, #tpu.memory_space<hbm>> -> memref<1x384xf32, #tpu.memory_space<hbm>>
    %dma_wait3A_67 = tpu.memref_squeeze %dma_wait3A_66 : memref<1x384xf32, #tpu.memory_space<hbm>> -> memref<384xf32, #tpu.memory_space<hbm>>
    %dma_wait3A_68 = arith.constant 0 : i32
    %dma_wait3A_69 = tpu.memref_slice %arg3[%min3A_26, %dma_wait3A_68] : memref<20x384xf32, #tpu.memory_space<hbm>> -> memref<1x384xf32, #tpu.memory_space<hbm>>
    %dma_wait3A_70 = tpu.memref_squeeze %dma_wait3A_69 : memref<1x384xf32, #tpu.memory_space<hbm>> -> memref<384xf32, #tpu.memory_space<hbm>>
    tpu.wait_dma2 semaphore(%arg10 : memref<!tpu.dma_semaphore, #tpu.memory_space<semaphore_mem>>) src(%dma_wait3A_70 : memref<384xf32, #tpu.memory_space<hbm>>) dst(%arg7 : memref<384xf32, #tpu.memory_space<vmem>>)
    %dma_wait3A_71 = arith.constant 0 : i32
    %dma_wait3A_72 = tpu.memref_slice %arg2[%min3A_22, %dma_wait3A_71] : memref<20x384xf32, #tpu.memory_space<hbm>> -> memref<1x384xf32, #tpu.memory_space<hbm>>
    %dma_wait3A_73 = tpu.memref_squeeze %dma_wait3A_72 : memref<1x384xf32, #tpu.memory_space<hbm>> -> memref<384xf32, #tpu.memory_space<hbm>>
    %dma_wait3A_74 = arith.constant 0 : i32
    %dma_wait3A_75 = tpu.memref_slice %arg2[%min3A_22, %dma_wait3A_74] : memref<20x384xf32, #tpu.memory_space<hbm>> -> memref<1x384xf32, #tpu.memory_space<hbm>>
    %dma_wait3A_76 = tpu.memref_squeeze %dma_wait3A_75 : memref<1x384xf32, #tpu.memory_space<hbm>> -> memref<384xf32, #tpu.memory_space<hbm>>
    tpu.wait_dma2 semaphore(%arg10 : memref<!tpu.dma_semaphore, #tpu.memory_space<semaphore_mem>>) src(%dma_wait3A_76 : memref<384xf32, #tpu.memory_space<hbm>>) dst(%arg8 : memref<384xf32, #tpu.memory_space<vmem>>)
    %dma_wait3A_77 = arith.constant 0 : i32
    %dma_wait3A_78 = tpu.memref_slice %arg2[%min3A_26, %dma_wait3A_77] : memref<20x384xf32, #tpu.memory_space<hbm>> -> memref<1x384xf32, #tpu.memory_space<hbm>>
    %dma_wait3A_79 = tpu.memref_squeeze %dma_wait3A_78 : memref<1x384xf32, #tpu.memory_space<hbm>> -> memref<384xf32, #tpu.memory_space<hbm>>
    %dma_wait3A_80 = arith.constant 0 : i32
    %dma_wait3A_81 = tpu.memref_slice %arg2[%min3A_26, %dma_wait3A_80] : memref<20x384xf32, #tpu.memory_space<hbm>> -> memref<1x384xf32, #tpu.memory_space<hbm>>
    %dma_wait3A_82 = tpu.memref_squeeze %dma_wait3A_81 : memref<1x384xf32, #tpu.memory_space<hbm>> -> memref<384xf32, #tpu.memory_space<hbm>>
    tpu.wait_dma2 semaphore(%arg10 : memref<!tpu.dma_semaphore, #tpu.memory_space<semaphore_mem>>) src(%dma_wait3A_82 : memref<384xf32, #tpu.memory_space<hbm>>) dst(%arg9 : memref<384xf32, #tpu.memory_space<vmem>>)
    %get3A = arith.constant 0 : index
    %get3A_83 = tpu.vector_load %arg6[%get3A] {strides = array<i32>} : memref<384xf32, #tpu.memory_space<vmem>>, vector<16xf32>,
    %get3A_84 = vector.shape_cast %get3A_83 : vector<16xf32> to vector<16xf32>
    %mul3A_85 = arith.mulf %sub3A_36, %get3A_84 : vector<16xf32>
    %get3A_86 = arith.constant 0 : index
    %get3A_87 = tpu.vector_load %arg7[%get3A_86] {strides = array<i32>} : memref<384xf32, #tpu.memory_space<vmem>>, vector<16xf32>,
    %get3A_88 = vector.shape_cast %get3A_87 : vector<16xf32> to vector<16xf32>
    %mul3A_89 = arith.mulf %mul3A_33, %get3A_88 : vector<16xf32>
    %add3A_90 = arith.addf %mul3A_85, %mul3A_89 : vector<16xf32>
    %get3A_91 = arith.constant 0 : index
    %get3A_92 = tpu.vector_load %arg8[%get3A_91] {strides = array<i32>} : memref<384xf32, #tpu.memory_space<vmem>>, vector<16xf32>,
    %get3A_93 = vector.shape_cast %get3A_92 : vector<16xf32> to vector<16xf32>
    %mul3A_94 = arith.mulf %sub3A_36, %get3A_93 : vector<16xf32>
    %get3A_95 = arith.constant 0 : index
    %get3A_96 = tpu.vector_load %arg9[%get3A_95] {strides = array<i32>} : memref<384xf32, #tpu.memory_space<vmem>>, vector<16xf32>,
    %get3A_97 = vector.shape_cast %get3A_96 : vector<16xf32> to vector<16xf32>
    %mul3A_98 = arith.mulf %mul3A_33, %get3A_97 : vector<16xf32>
    %add3A_99 = arith.addf %mul3A_94, %mul3A_98 : vector<16xf32>
    %swap3A = arith.constant 0 : index
    %swap3A_100 = tpu.vector_load %arg5[%swap3A] {strides = array<i32>} : memref<768xf32, #tpu.memory_space<vmem>>, vector<16xf32>,
    %swap3A_101 = vector.shape_cast %swap3A_100 : vector<16xf32> to vector<16xf32>
    %swap3A_102 = vector.shape_cast %add3A_90 : vector<16xf32> to vector<16xf32>
    tpu.vector_store %arg5[%swap3A], %swap3A_102 {strides = array<i32>} : memref<768xf32, #tpu.memory_space<vmem>>, vector<16xf32>,
    %swap3A_103 = arith.constant 384 : index
    %swap3A_104 = tpu.vector_load %arg5[%swap3A_103] {strides = array<i32>} : memref<768xf32, #tpu.memory_space<vmem>>, vector<16xf32>,
    %swap3A_105 = vector.shape_cast %swap3A_104 : vector<16xf32> to vector<16xf32>
    %swap3A_106 = vector.shape_cast %add3A_99 : vector<16xf32> to vector<16xf32>
    tpu.vector_store %arg5[%swap3A_103], %swap3A_106 {strides = array<i32>} : memref<768xf32, #tpu.memory_space<vmem>>, vector<16xf32>,
    %get3A_107 = arith.constant 16 : index
    %get3A_108 = tpu.vector_load %arg6[%get3A_107] {strides = array<i32>} : memref<384xf32, #tpu.memory_space<vmem>>, vector<16xf32>,
    %get3A_109 = vector.shape_cast %get3A_108 : vector<16xf32> to vector<16xf32>
    %mul3A_110 = arith.mulf %sub3A_36, %get3A_109 : vector<16xf32>
    %get3A_111 = arith.constant 16 : index
    %get3A_112 = tpu.vector_load %arg7[%get3A_111] {strides = array<i32>} : memref<384xf32, #tpu.memory_space<vmem>>, vector<16xf32>,
    %get3A_113 = vector.shape_cast %get3A_112 : vector<16xf32> to vector<16xf32>
    %mul3A_114 = arith.mulf %mul3A_33, %get3A_113 : vector<16xf32>
    %add3A_115 = arith.addf %mul3A_110, %mul3A_114 : vector<16xf32>
    %get3A_116 = arith.constant 16 : index
    %get3A_117 = tpu.vector_load %arg8[%get3A_116] {strides = array<i32>} : memref<384xf32, #tpu.memory_space<vmem>>, vector<16xf32>,
    %get3A_118 = vector.shape_cast %get3A_117 : vector<16xf32> to vector<16xf32>
    %mul3A_119 = arith.mulf %sub3A_36, %get3A_118 : vector<16xf32>
    %get3A_120 = arith.constant 16 : index
    %get3A_121 = tpu.vector_load %arg9[%get3A_120] {strides = array<i32>} : memref<384xf32, #tpu.memory_space<vmem>>, vector<16xf32>,
    %get3A_122 = vector.shape_cast %get3A_121 : vector<16xf32> to vector<16xf32>
    %mul3A_123 = arith.mulf %mul3A_33, %get3A_122 : vector<16xf32>
    %add3A_124 = arith.addf %mul3A_119, %mul3A_123 : vector<16xf32>
    %swap3A_125 = arith.constant 16 : index
    %swap3A_126 = tpu.vector_load %arg5[%swap3A_125] {strides = array<i32>} : memref<768xf32, #tpu.memory_space<vmem>>, vector<16xf32>,
    %swap3A_127 = vector.shape_cast %swap3A_126 : vector<16xf32> to vector<16xf32>
    %swap3A_128 = vector.shape_cast %add3A_115 : vector<16xf32> to vector<16xf32>
    tpu.vector_store %arg5[%swap3A_125], %swap3A_128 {strides = array<i32>} : memref<768xf32, #tpu.memory_space<vmem>>, vector<16xf32>,
    %swap3A_129 = arith.constant 400 : index
    %swap3A_130 = tpu.vector_load %arg5[%swap3A_129] {strides = array<i32>} : memref<768xf32, #tpu.memory_space<vmem>>, vector<16xf32>,
    %swap3A_131 = vector.shape_cast %swap3A_130 : vector<16xf32> to vector<16xf32>
    %swap3A_132 = vector.shape_cast %add3A_124 : vector<16xf32> to vector<16xf32>
    tpu.vector_store %arg5[%swap3A_129], %swap3A_132 {strides = array<i32>} : memref<768xf32, #tpu.memory_space<vmem>>, vector<16xf32>,
    %get3A_133 = arith.constant 32 : index
    %get3A_134 = tpu.vector_load %arg6[%get3A_133] {strides = array<i32>} : memref<384xf32, #tpu.memory_space<vmem>>, vector<16xf32>,
    %get3A_135 = vector.shape_cast %get3A_134 : vector<16xf32> to vector<16xf32>
    %mul3A_136 = arith.mulf %sub3A_36, %get3A_135 : vector<16xf32>
    %get3A_137 = arith.constant 32 : index
    %get3A_138 = tpu.vector_load %arg7[%get3A_137] {strides = array<i32>} : memref<384xf32, #tpu.memory_space<vmem>>, vector<16xf32>,
    %get3A_139 = vector.shape_cast %get3A_138 : vector<16xf32> to vector<16xf32>
    %mul3A_140 = arith.mulf %mul3A_33, %get3A_139 : vector<16xf32>
    %add3A_141 = arith.addf %mul3A_136, %mul3A_140 : vector<16xf32>
    %get3A_142 = arith.constant 32 : index
    %get3A_143 = tpu.vector_load %arg8[%get3A_142] {strides = array<i32>} : memref<384xf32, #tpu.memory_space<vmem>>, vector<16xf32>,
    %get3A_144 = vector.shape_cast %get3A_143 : vector<16xf32> to vector<16xf32>
    %mul3A_145 = arith.mulf %sub3A_36, %get3A_144 : vector<16xf32>
    %get3A_146 = arith.constant 32 : index
    %get3A_147 = tpu.vector_load %arg9[%get3A_146] {strides = array<i32>} : memref<384xf32, #tpu.memory_space<vmem>>, vector<16xf32>,
    %get3A_148 = vector.shape_cast %get3A_147 : vector<16xf32> to vector<16xf32>
    %mul3A_149 = arith.mulf %mul3A_33, %get3A_148 : vector<16xf32>
    %add3A_150 = arith.addf %mul3A_145, %mul3A_149 : vector<16xf32>
    %swap3A_151 = arith.constant 32 : index
    %swap3A_152 = tpu.vector_load %arg5[%swap3A_151] {strides = array<i32>} : memref<768xf32, #tpu.memory_space<vmem>>, vector<16xf32>,
    %swap3A_153 = vector.shape_cast %swap3A_152 : vector<16xf32> to vector<16xf32>
    %swap3A_154 = vector.shape_cast %add3A_141 : vector<16xf32> to vector<16xf32>
    tpu.vector_store %arg5[%swap3A_151], %swap3A_154 {strides = array<i32>} : memref<768xf32, #tpu.memory_space<vmem>>, vector<16xf32>,
    %swap3A_155 = arith.constant 416 : index
    %swap3A_156 = tpu.vector_load %arg5[%swap3A_155] {strides = array<i32>} : memref<768xf32, #tpu.memory_space<vmem>>, vector<16xf32>,
    %swap3A_157 = vector.shape_cast %swap3A_156 : vector<16xf32> to vector<16xf32>
    %swap3A_158 = vector.shape_cast %add3A_150 : vector<16xf32> to vector<16xf32>
    tpu.vector_store %arg5[%swap3A_155], %swap3A_158 {strides = array<i32>} : memref<768xf32, #tpu.memory_space<vmem>>, vector<16xf32>,
    %get3A_159 = arith.constant 48 : index
    %get3A_160 = tpu.vector_load %arg6[%get3A_159] {strides = array<i32>} : memref<384xf32, #tpu.memory_space<vmem>>, vector<16xf32>,
    %get3A_161 = vector.shape_cast %get3A_160 : vector<16xf32> to vector<16xf32>
    %mul3A_162 = arith.mulf %sub3A_36, %get3A_161 : vector<16xf32>
    %get3A_163 = arith.constant 48 : index
    %get3A_164 = tpu.vector_load %arg7[%get3A_163] {strides = array<i32>} : memref<384xf32, #tpu.memory_space<vmem>>, vector<16xf32>,
    %get3A_165 = vector.shape_cast %get3A_164 : vector<16xf32> to vector<16xf32>
    %mul3A_166 = arith.mulf %mul3A_33, %get3A_165 : vector<16xf32>
    %add3A_167 = arith.addf %mul3A_162, %mul3A_166 : vector<16xf32>
    %get3A_168 = arith.constant 48 : index
    %get3A_169 = tpu.vector_load %arg8[%get3A_168] {strides = array<i32>} : memref<384xf32, #tpu.memory_space<vmem>>, vector<16xf32>,
    %get3A_170 = vector.shape_cast %get3A_169 : vector<16xf32> to vector<16xf32>
    %mul3A_171 = arith.mulf %sub3A_36, %get3A_170 : vector<16xf32>
    %get3A_172 = arith.constant 48 : index
    %get3A_173 = tpu.vector_load %arg9[%get3A_172] {strides = array<i32>} : memref<384xf32, #tpu.memory_space<vmem>>, vector<16xf32>,
    %get3A_174 = vector.shape_cast %get3A_173 : vector<16xf32> to vector<16xf32>
    %mul3A_175 = arith.mulf %mul3A_33, %get3A_174 : vector<16xf32>
    %add3A_176 = arith.addf %mul3A_171, %mul3A_175 : vector<16xf32>
    %swap3A_177 = arith.constant 48 : index
    %swap3A_178 = tpu.vector_load %arg5[%swap3A_177] {strides = array<i32>} : memref<768xf32, #tpu.memory_space<vmem>>, vector<16xf32>,
    %swap3A_179 = vector.shape_cast %swap3A_178 : vector<16xf32> to vector<16xf32>
    %swap3A_180 = vector.shape_cast %add3A_167 : vector<16xf32> to vector<16xf32>
    tpu.vector_store %arg5[%swap3A_177], %swap3A_180 {strides = array<i32>} : memref<768xf32, #tpu.memory_space<vmem>>, vector<16xf32>,
    %swap3A_181 = arith.constant 432 : index
    %swap3A_182 = tpu.vector_load %arg5[%swap3A_181] {strides = array<i32>} : memref<768xf32, #tpu.memory_space<vmem>>, vector<16xf32>,
    %swap3A_183 = vector.shape_cast %swap3A_182 : vector<16xf32> to vector<16xf32>
    %swap3A_184 = vector.shape_cast %add3A_176 : vector<16xf32> to vector<16xf32>
    tpu.vector_store %arg5[%swap3A_181], %swap3A_184 {strides = array<i32>} : memref<768xf32, #tpu.memory_space<vmem>>, vector<16xf32>,
    %get3A_185 = arith.constant 64 : index
    %get3A_186 = tpu.vector_load %arg6[%get3A_185] {strides = array<i32>} : memref<384xf32, #tpu.memory_space<vmem>>, vector<16xf32>,
    %get3A_187 = vector.shape_cast %get3A_186 : vector<16xf32> to vector<16xf32>
    %mul3A_188 = arith.mulf %sub3A_36, %get3A_187 : vector<16xf32>
    %get3A_189 = arith.constant 64 : index
    %get3A_190 = tpu.vector_load %arg7[%get3A_189] {strides = array<i32>} : memref<384xf32, #tpu.memory_space<vmem>>, vector<16xf32>,
    %get3A_191 = vector.shape_cast %get3A_190 : vector<16xf32> to vector<16xf32>
    %mul3A_192 = arith.mulf %mul3A_33, %get3A_191 : vector<16xf32>
    %add3A_193 = arith.addf %mul3A_188, %mul3A_192 : vector<16xf32>
    %get3A_194 = arith.constant 64 : index
    %get3A_195 = tpu.vector_load %arg8[%get3A_194] {strides = array<i32>} : memref<384xf32, #tpu.memory_space<vmem>>, vector<16xf32>,
    %get3A_196 = vector.shape_cast %get3A_195 : vector<16xf32> to vector<16xf32>
    %mul3A_197 = arith.mulf %sub3A_36, %get3A_196 : vector<16xf32>
    %get3A_198 = arith.constant 64 : index
    %get3A_199 = tpu.vector_load %arg9[%get3A_198] {strides = array<i32>} : memref<384xf32, #tpu.memory_space<vmem>>, vector<16xf32>,
    %get3A_200 = vector.shape_cast %get3A_199 : vector<16xf32> to vector<16xf32>
    %mul3A_201 = arith.mulf %mul3A_33, %get3A_200 : vector<16xf32>
    %add3A_202 = arith.addf %mul3A_197, %mul3A_201 : vector<16xf32>
    %swap3A_203 = arith.constant 64 : index
    %swap3A_204 = tpu.vector_load %arg5[%swap3A_203] {strides = array<i32>} : memref<768xf32, #tpu.memory_space<vmem>>, vector<16xf32>,
    %swap3A_205 = vector.shape_cast %swap3A_204 : vector<16xf32> to vector<16xf32>
    %swap3A_206 = vector.shape_cast %add3A_193 : vector<16xf32> to vector<16xf32>
    tpu.vector_store %arg5[%swap3A_203], %swap3A_206 {strides = array<i32>} : memref<768xf32, #tpu.memory_space<vmem>>, vector<16xf32>,
    %swap3A_207 = arith.constant 448 : index
    %swap3A_208 = tpu.vector_load %arg5[%swap3A_207] {strides = array<i32>} : memref<768xf32, #tpu.memory_space<vmem>>, vector<16xf32>,
    %swap3A_209 = vector.shape_cast %swap3A_208 : vector<16xf32> to vector<16xf32>
    %swap3A_210 = vector.shape_cast %add3A_202 : vector<16xf32> to vector<16xf32>
    tpu.vector_store %arg5[%swap3A_207], %swap3A_210 {strides = array<i32>} : memref<768xf32, #tpu.memory_space<vmem>>, vector<16xf32>,
    %get3A_211 = arith.constant 80 : index
    %get3A_212 = tpu.vector_load %arg6[%get3A_211] {strides = array<i32>} : memref<384xf32, #tpu.memory_space<vmem>>, vector<16xf32>,
    %get3A_213 = vector.shape_cast %get3A_212 : vector<16xf32> to vector<16xf32>
    %mul3A_214 = arith.mulf %sub3A_36, %get3A_213 : vector<16xf32>
    %get3A_215 = arith.constant 80 : index
    %get3A_216 = tpu.vector_load %arg7[%get3A_215] {strides = array<i32>} : memref<384xf32, #tpu.memory_space<vmem>>, vector<16xf32>,
    %get3A_217 = vector.shape_cast %get3A_216 : vector<16xf32> to vector<16xf32>
    %mul3A_218 = arith.mulf %mul3A_33, %get3A_217 : vector<16xf32>
    %add3A_219 = arith.addf %mul3A_214, %mul3A_218 : vector<16xf32>
    %get3A_220 = arith.constant 80 : index
    %get3A_221 = tpu.vector_load %arg8[%get3A_220] {strides = array<i32>} : memref<384xf32, #tpu.memory_space<vmem>>, vector<16xf32>,
    %get3A_222 = vector.shape_cast %get3A_221 : vector<16xf32> to vector<16xf32>
    %mul3A_223 = arith.mulf %sub3A_36, %get3A_222 : vector<16xf32>
    %get3A_224 = arith.constant 80 : index
    %get3A_225 = tpu.vector_load %arg9[%get3A_224] {strides = array<i32>} : memref<384xf32, #tpu.memory_space<vmem>>, vector<16xf32>,
    %get3A_226 = vector.shape_cast %get3A_225 : vector<16xf32> to vector<16xf32>
    %mul3A_227 = arith.mulf %mul3A_33, %get3A_226 : vector<16xf32>
    %add3A_228 = arith.addf %mul3A_223, %mul3A_227 : vector<16xf32>
    %swap3A_229 = arith.constant 80 : index
    %swap3A_230 = tpu.vector_load %arg5[%swap3A_229] {strides = array<i32>} : memref<768xf32, #tpu.memory_space<vmem>>, vector<16xf32>,
    %swap3A_231 = vector.shape_cast %swap3A_230 : vector<16xf32> to vector<16xf32>
    %swap3A_232 = vector.shape_cast %add3A_219 : vector<16xf32> to vector<16xf32>
    tpu.vector_store %arg5[%swap3A_229], %swap3A_232 {strides = array<i32>} : memref<768xf32, #tpu.memory_space<vmem>>, vector<16xf32>,
    %swap3A_233 = arith.constant 464 : index
    %swap3A_234 = tpu.vector_load %arg5[%swap3A_233] {strides = array<i32>} : memref<768xf32, #tpu.memory_space<vmem>>, vector<16xf32>,
    %swap3A_235 = vector.shape_cast %swap3A_234 : vector<16xf32> to vector<16xf32>
    %swap3A_236 = vector.shape_cast %add3A_228 : vector<16xf32> to vector<16xf32>
    tpu.vector_store %arg5[%swap3A_233], %swap3A_236 {strides = array<i32>} : memref<768xf32, #tpu.memory_space<vmem>>, vector<16xf32>,
    %get3A_237 = arith.constant 96 : index
    %get3A_238 = tpu.vector_load %arg6[%get3A_237] {strides = array<i32>} : memref<384xf32, #tpu.memory_space<vmem>>, vector<16xf32>,
    %get3A_239 = vector.shape_cast %get3A_238 : vector<16xf32> to vector<16xf32>
    %mul3A_240 = arith.mulf %sub3A_36, %get3A_239 : vector<16xf32>
    %get3A_241 = arith.constant 96 : index
    %get3A_242 = tpu.vector_load %arg7[%get3A_241] {strides = array<i32>} : memref<384xf32, #tpu.memory_space<vmem>>, vector<16xf32>,
    %get3A_243 = vector.shape_cast %get3A_242 : vector<16xf32> to vector<16xf32>
    %mul3A_244 = arith.mulf %mul3A_33, %get3A_243 : vector<16xf32>
    %add3A_245 = arith.addf %mul3A_240, %mul3A_244 : vector<16xf32>
    %get3A_246 = arith.constant 96 : index
    %get3A_247 = tpu.vector_load %arg8[%get3A_246] {strides = array<i32>} : memref<384xf32, #tpu.memory_space<vmem>>, vector<16xf32>,
    %get3A_248 = vector.shape_cast %get3A_247 : vector<16xf32> to vector<16xf32>
    %mul3A_249 = arith.mulf %sub3A_36, %get3A_248 : vector<16xf32>
    %get3A_250 = arith.constant 96 : index
    %get3A_251 = tpu.vector_load %arg9[%get3A_250] {strides = array<i32>} : memref<384xf32, #tpu.memory_space<vmem>>, vector<16xf32>,
    %get3A_252 = vector.shape_cast %get3A_251 : vector<16xf32> to vector<16xf32>
    %mul3A_253 = arith.mulf %mul3A_33, %get3A_252 : vector<16xf32>
    %add3A_254 = arith.addf %mul3A_249, %mul3A_253 : vector<16xf32>
    %swap3A_255 = arith.constant 96 : index
    %swap3A_256 = tpu.vector_load %arg5[%swap3A_255] {strides = array<i32>} : memref<768xf32, #tpu.memory_space<vmem>>, vector<16xf32>,
    %swap3A_257 = vector.shape_cast %swap3A_256 : vector<16xf32> to vector<16xf32>
    %swap3A_258 = vector.shape_cast %add3A_245 : vector<16xf32> to vector<16xf32>
    tpu.vector_store %arg5[%swap3A_255], %swap3A_258 {strides = array<i32>} : memref<768xf32, #tpu.memory_space<vmem>>, vector<16xf32>,
    %swap3A_259 = arith.constant 480 : index
    %swap3A_260 = tpu.vector_load %arg5[%swap3A_259] {strides = array<i32>} : memref<768xf32, #tpu.memory_space<vmem>>, vector<16xf32>,
    %swap3A_261 = vector.shape_cast %swap3A_260 : vector<16xf32> to vector<16xf32>
    %swap3A_262 = vector.shape_cast %add3A_254 : vector<16xf32> to vector<16xf32>
    tpu.vector_store %arg5[%swap3A_259], %swap3A_262 {strides = array<i32>} : memref<768xf32, #tpu.memory_space<vmem>>, vector<16xf32>,
    %get3A_263 = arith.constant 112 : index
    %get3A_264 = tpu.vector_load %arg6[%get3A_263] {strides = array<i32>} : memref<384xf32, #tpu.memory_space<vmem>>, vector<16xf32>,
    %get3A_265 = vector.shape_cast %get3A_264 : vector<16xf32> to vector<16xf32>
    %mul3A_266 = arith.mulf %sub3A_36, %get3A_265 : vector<16xf32>
    %get3A_267 = arith.constant 112 : index
    %get3A_268 = tpu.vector_load %arg7[%get3A_267] {strides = array<i32>} : memref<384xf32, #tpu.memory_space<vmem>>, vector<16xf32>,
    %get3A_269 = vector.shape_cast %get3A_268 : vector<16xf32> to vector<16xf32>
    %mul3A_270 = arith.mulf %mul3A_33, %get3A_269 : vector<16xf32>
    %add3A_271 = arith.addf %mul3A_266, %mul3A_270 : vector<16xf32>
    %get3A_272 = arith.constant 112 : index
    %get3A_273 = tpu.vector_load %arg8[%get3A_272] {strides = array<i32>} : memref<384xf32, #tpu.memory_space<vmem>>, vector<16xf32>,
    %get3A_274 = vector.shape_cast %get3A_273 : vector<16xf32> to vector<16xf32>
    %mul3A_275 = arith.mulf %sub3A_36, %get3A_274 : vector<16xf32>
    %get3A_276 = arith.constant 112 : index
    %get3A_277 = tpu.vector_load %arg9[%get3A_276] {strides = array<i32>} : memref<384xf32, #tpu.memory_space<vmem>>, vector<16xf32>,
    %get3A_278 = vector.shape_cast %get3A_277 : vector<16xf32> to vector<16xf32>
    %mul3A_279 = arith.mulf %mul3A_33, %get3A_278 : vector<16xf32>
    %add3A_280 = arith.addf %mul3A_275, %mul3A_279 : vector<16xf32>
    %swap3A_281 = arith.constant 112 : index
    %swap3A_282 = tpu.vector_load %arg5[%swap3A_281] {strides = array<i32>} : memref<768xf32, #tpu.memory_space<vmem>>, vector<16xf32>,
    %swap3A_283 = vector.shape_cast %swap3A_282 : vector<16xf32> to vector<16xf32>
    %swap3A_284 = vector.shape_cast %add3A_271 : vector<16xf32> to vector<16xf32>
    tpu.vector_store %arg5[%swap3A_281], %swap3A_284 {strides = array<i32>} : memref<768xf32, #tpu.memory_space<vmem>>, vector<16xf32>,
    %swap3A_285 = arith.constant 496 : index
    %swap3A_286 = tpu.vector_load %arg5[%swap3A_285] {strides = array<i32>} : memref<768xf32, #tpu.memory_space<vmem>>, vector<16xf32>,
    %swap3A_287 = vector.shape_cast %swap3A_286 : vector<16xf32> to vector<16xf32>
    %swap3A_288 = vector.shape_cast %add3A_280 : vector<16xf32> to vector<16xf32>
    tpu.vector_store %arg5[%swap3A_285], %swap3A_288 {strides = array<i32>} : memref<768xf32, #tpu.memory_space<vmem>>, vector<16xf32>,
    %get3A_289 = arith.constant 128 : index
    %get3A_290 = tpu.vector_load %arg6[%get3A_289] {strides = array<i32>} : memref<384xf32, #tpu.memory_space<vmem>>, vector<16xf32>,
    %get3A_291 = vector.shape_cast %get3A_290 : vector<16xf32> to vector<16xf32>
    %mul3A_292 = arith.mulf %sub3A_36, %get3A_291 : vector<16xf32>
    %get3A_293 = arith.constant 128 : index
    %get3A_294 = tpu.vector_load %arg7[%get3A_293] {strides = array<i32>} : memref<384xf32, #tpu.memory_space<vmem>>, vector<16xf32>,
    %get3A_295 = vector.shape_cast %get3A_294 : vector<16xf32> to vector<16xf32>
    %mul3A_296 = arith.mulf %mul3A_33, %get3A_295 : vector<16xf32>
    %add3A_297 = arith.addf %mul3A_292, %mul3A_296 : vector<16xf32>
    %get3A_298 = arith.constant 128 : index
    %get3A_299 = tpu.vector_load %arg8[%get3A_298] {strides = array<i32>} : memref<384xf32, #tpu.memory_space<vmem>>, vector<16xf32>,
    %get3A_300 = vector.shape_cast %get3A_299 : vector<16xf32> to vector<16xf32>
    %mul3A_301 = arith.mulf %sub3A_36, %get3A_300 : vector<16xf32>
    %get3A_302 = arith.constant 128 : index
    %get3A_303 = tpu.vector_load %arg9[%get3A_302] {strides = array<i32>} : memref<384xf32, #tpu.memory_space<vmem>>, vector<16xf32>,
    %get3A_304 = vector.shape_cast %get3A_303 : vector<16xf32> to vector<16xf32>
    %mul3A_305 = arith.mulf %mul3A_33, %get3A_304 : vector<16xf32>
    %add3A_306 = arith.addf %mul3A_301, %mul3A_305 : vector<16xf32>
    %swap3A_307 = arith.constant 128 : index
    %swap3A_308 = tpu.vector_load %arg5[%swap3A_307] {strides = array<i32>} : memref<768xf32, #tpu.memory_space<vmem>>, vector<16xf32>,
    %swap3A_309 = vector.shape_cast %swap3A_308 : vector<16xf32> to vector<16xf32>
    %swap3A_310 = vector.shape_cast %add3A_297 : vector<16xf32> to vector<16xf32>
    tpu.vector_store %arg5[%swap3A_307], %swap3A_310 {strides = array<i32>} : memref<768xf32, #tpu.memory_space<vmem>>, vector<16xf32>,
    %swap3A_311 = arith.constant 512 : index
    %swap3A_312 = tpu.vector_load %arg5[%swap3A_311] {strides = array<i32>} : memref<768xf32, #tpu.memory_space<vmem>>, vector<16xf32>,
    %swap3A_313 = vector.shape_cast %swap3A_312 : vector<16xf32> to vector<16xf32>
    %swap3A_314 = vector.shape_cast %add3A_306 : vector<16xf32> to vector<16xf32>
    tpu.vector_store %arg5[%swap3A_311], %swap3A_314 {strides = array<i32>} : memref<768xf32, #tpu.memory_space<vmem>>, vector<16xf32>,
    %get3A_315 = arith.constant 144 : index
    %get3A_316 = tpu.vector_load %arg6[%get3A_315] {strides = array<i32>} : memref<384xf32, #tpu.memory_space<vmem>>, vector<16xf32>,
    %get3A_317 = vector.shape_cast %get3A_316 : vector<16xf32> to vector<16xf32>
    %mul3A_318 = arith.mulf %sub3A_36, %get3A_317 : vector<16xf32>
    %get3A_319 = arith.constant 144 : index
    %get3A_320 = tpu.vector_load %arg7[%get3A_319] {strides = array<i32>} : memref<384xf32, #tpu.memory_space<vmem>>, vector<16xf32>,
    %get3A_321 = vector.shape_cast %get3A_320 : vector<16xf32> to vector<16xf32>
    %mul3A_322 = arith.mulf %mul3A_33, %get3A_321 : vector<16xf32>
    %add3A_323 = arith.addf %mul3A_318, %mul3A_322 : vector<16xf32>
    %get3A_324 = arith.constant 144 : index
    %get3A_325 = tpu.vector_load %arg8[%get3A_324] {strides = array<i32>} : memref<384xf32, #tpu.memory_space<vmem>>, vector<16xf32>,
    %get3A_326 = vector.shape_cast %get3A_325 : vector<16xf32> to vector<16xf32>
    %mul3A_327 = arith.mulf %sub3A_36, %get3A_326 : vector<16xf32>
    %get3A_328 = arith.constant 144 : index
    %get3A_329 = tpu.vector_load %arg9[%get3A_328] {strides = array<i32>} : memref<384xf32, #tpu.memory_space<vmem>>, vector<16xf32>,
    %get3A_330 = vector.shape_cast %get3A_329 : vector<16xf32> to vector<16xf32>
    %mul3A_331 = arith.mulf %mul3A_33, %get3A_330 : vector<16xf32>
    %add3A_332 = arith.addf %mul3A_327, %mul3A_331 : vector<16xf32>
    %swap3A_333 = arith.constant 144 : index
    %swap3A_334 = tpu.vector_load %arg5[%swap3A_333] {strides = array<i32>} : memref<768xf32, #tpu.memory_space<vmem>>, vector<16xf32>,
    %swap3A_335 = vector.shape_cast %swap3A_334 : vector<16xf32> to vector<16xf32>
    %swap3A_336 = vector.shape_cast %add3A_323 : vector<16xf32> to vector<16xf32>
    tpu.vector_store %arg5[%swap3A_333], %swap3A_336 {strides = array<i32>} : memref<768xf32, #tpu.memory_space<vmem>>, vector<16xf32>,
    %swap3A_337 = arith.constant 528 : index
    %swap3A_338 = tpu.vector_load %arg5[%swap3A_337] {strides = array<i32>} : memref<768xf32, #tpu.memory_space<vmem>>, vector<16xf32>,
    %swap3A_339 = vector.shape_cast %swap3A_338 : vector<16xf32> to vector<16xf32>
    %swap3A_340 = vector.shape_cast %add3A_332 : vector<16xf32> to vector<16xf32>
    tpu.vector_store %arg5[%swap3A_337], %swap3A_340 {strides = array<i32>} : memref<768xf32, #tpu.memory_space<vmem>>, vector<16xf32>,
    %get3A_341 = arith.constant 160 : index
    %get3A_342 = tpu.vector_load %arg6[%get3A_341] {strides = array<i32>} : memref<384xf32, #tpu.memory_space<vmem>>, vector<16xf32>,
    %get3A_343 = vector.shape_cast %get3A_342 : vector<16xf32> to vector<16xf32>
    %mul3A_344 = arith.mulf %sub3A_36, %get3A_343 : vector<16xf32>
    %get3A_345 = arith.constant 160 : index
    %get3A_346 = tpu.vector_load %arg7[%get3A_345] {strides = array<i32>} : memref<384xf32, #tpu.memory_space<vmem>>, vector<16xf32>,
    %get3A_347 = vector.shape_cast %get3A_346 : vector<16xf32> to vector<16xf32>
    %mul3A_348 = arith.mulf %mul3A_33, %get3A_347 : vector<16xf32>
    %add3A_349 = arith.addf %mul3A_344, %mul3A_348 : vector<16xf32>
    %get3A_350 = arith.constant 160 : index
    %get3A_351 = tpu.vector_load %arg8[%get3A_350] {strides = array<i32>} : memref<384xf32, #tpu.memory_space<vmem>>, vector<16xf32>,
    %get3A_352 = vector.shape_cast %get3A_351 : vector<16xf32> to vector<16xf32>
    %mul3A_353 = arith.mulf %sub3A_36, %get3A_352 : vector<16xf32>
    %get3A_354 = arith.constant 160 : index
    %get3A_355 = tpu.vector_load %arg9[%get3A_354] {strides = array<i32>} : memref<384xf32, #tpu.memory_space<vmem>>, vector<16xf32>,
    %get3A_356 = vector.shape_cast %get3A_355 : vector<16xf32> to vector<16xf32>
    %mul3A_357 = arith.mulf %mul3A_33, %get3A_356 : vector<16xf32>
    %add3A_358 = arith.addf %mul3A_353, %mul3A_357 : vector<16xf32>
    %swap3A_359 = arith.constant 160 : index
    %swap3A_360 = tpu.vector_load %arg5[%swap3A_359] {strides = array<i32>} : memref<768xf32, #tpu.memory_space<vmem>>, vector<16xf32>,
    %swap3A_361 = vector.shape_cast %swap3A_360 : vector<16xf32> to vector<16xf32>
    %swap3A_362 = vector.shape_cast %add3A_349 : vector<16xf32> to vector<16xf32>
    tpu.vector_store %arg5[%swap3A_359], %swap3A_362 {strides = array<i32>} : memref<768xf32, #tpu.memory_space<vmem>>, vector<16xf32>,
    %swap3A_363 = arith.constant 544 : index
    %swap3A_364 = tpu.vector_load %arg5[%swap3A_363] {strides = array<i32>} : memref<768xf32, #tpu.memory_space<vmem>>, vector<16xf32>,
    %swap3A_365 = vector.shape_cast %swap3A_364 : vector<16xf32> to vector<16xf32>
    %swap3A_366 = vector.shape_cast %add3A_358 : vector<16xf32> to vector<16xf32>
    tpu.vector_store %arg5[%swap3A_363], %swap3A_366 {strides = array<i32>} : memref<768xf32, #tpu.memory_space<vmem>>, vector<16xf32>,
    %get3A_367 = arith.constant 176 : index
    %get3A_368 = tpu.vector_load %arg6[%get3A_367] {strides = array<i32>} : memref<384xf32, #tpu.memory_space<vmem>>, vector<16xf32>,
    %get3A_369 = vector.shape_cast %get3A_368 : vector<16xf32> to vector<16xf32>
    %mul3A_370 = arith.mulf %sub3A_36, %get3A_369 : vector<16xf32>
    %get3A_371 = arith.constant 176 : index
    %get3A_372 = tpu.vector_load %arg7[%get3A_371] {strides = array<i32>} : memref<384xf32, #tpu.memory_space<vmem>>, vector<16xf32>,
    %get3A_373 = vector.shape_cast %get3A_372 : vector<16xf32> to vector<16xf32>
    %mul3A_374 = arith.mulf %mul3A_33, %get3A_373 : vector<16xf32>
    %add3A_375 = arith.addf %mul3A_370, %mul3A_374 : vector<16xf32>
    %get3A_376 = arith.constant 176 : index
    %get3A_377 = tpu.vector_load %arg8[%get3A_376] {strides = array<i32>} : memref<384xf32, #tpu.memory_space<vmem>>, vector<16xf32>,
    %get3A_378 = vector.shape_cast %get3A_377 : vector<16xf32> to vector<16xf32>
    %mul3A_379 = arith.mulf %sub3A_36, %get3A_378 : vector<16xf32>
    %get3A_380 = arith.constant 176 : index
    %get3A_381 = tpu.vector_load %arg9[%get3A_380] {strides = array<i32>} : memref<384xf32, #tpu.memory_space<vmem>>, vector<16xf32>,
    %get3A_382 = vector.shape_cast %get3A_381 : vector<16xf32> to vector<16xf32>
    %mul3A_383 = arith.mulf %mul3A_33, %get3A_382 : vector<16xf32>
    %add3A_384 = arith.addf %mul3A_379, %mul3A_383 : vector<16xf32>
    %swap3A_385 = arith.constant 176 : index
    %swap3A_386 = tpu.vector_load %arg5[%swap3A_385] {strides = array<i32>} : memref<768xf32, #tpu.memory_space<vmem>>, vector<16xf32>,
    %swap3A_387 = vector.shape_cast %swap3A_386 : vector<16xf32> to vector<16xf32>
    %swap3A_388 = vector.shape_cast %add3A_375 : vector<16xf32> to vector<16xf32>
    tpu.vector_store %arg5[%swap3A_385], %swap3A_388 {strides = array<i32>} : memref<768xf32, #tpu.memory_space<vmem>>, vector<16xf32>,
    %swap3A_389 = arith.constant 560 : index
    %swap3A_390 = tpu.vector_load %arg5[%swap3A_389] {strides = array<i32>} : memref<768xf32, #tpu.memory_space<vmem>>, vector<16xf32>,
    %swap3A_391 = vector.shape_cast %swap3A_390 : vector<16xf32> to vector<16xf32>
    %swap3A_392 = vector.shape_cast %add3A_384 : vector<16xf32> to vector<16xf32>
    tpu.vector_store %arg5[%swap3A_389], %swap3A_392 {strides = array<i32>} : memref<768xf32, #tpu.memory_space<vmem>>, vector<16xf32>,
    %get3A_393 = arith.constant 192 : index
    %get3A_394 = tpu.vector_load %arg6[%get3A_393] {strides = array<i32>} : memref<384xf32, #tpu.memory_space<vmem>>, vector<16xf32>,
    %get3A_395 = vector.shape_cast %get3A_394 : vector<16xf32> to vector<16xf32>
    %mul3A_396 = arith.mulf %sub3A_36, %get3A_395 : vector<16xf32>
    %get3A_397 = arith.constant 192 : index
    %get3A_398 = tpu.vector_load %arg7[%get3A_397] {strides = array<i32>} : memref<384xf32, #tpu.memory_space<vmem>>, vector<16xf32>,
    %get3A_399 = vector.shape_cast %get3A_398 : vector<16xf32> to vector<16xf32>
    %mul3A_400 = arith.mulf %mul3A_33, %get3A_399 : vector<16xf32>
    %add3A_401 = arith.addf %mul3A_396, %mul3A_400 : vector<16xf32>
    %get3A_402 = arith.constant 192 : index
    %get3A_403 = tpu.vector_load %arg8[%get3A_402] {strides = array<i32>} : memref<384xf32, #tpu.memory_space<vmem>>, vector<16xf32>,
    %get3A_404 = vector.shape_cast %get3A_403 : vector<16xf32> to vector<16xf32>
    %mul3A_405 = arith.mulf %sub3A_36, %get3A_404 : vector<16xf32>
    %get3A_406 = arith.constant 192 : index
    %get3A_407 = tpu.vector_load %arg9[%get3A_406] {strides = array<i32>} : memref<384xf32, #tpu.memory_space<vmem>>, vector<16xf32>,
    %get3A_408 = vector.shape_cast %get3A_407 : vector<16xf32> to vector<16xf32>
    %mul3A_409 = arith.mulf %mul3A_33, %get3A_408 : vector<16xf32>
    %add3A_410 = arith.addf %mul3A_405, %mul3A_409 : vector<16xf32>
    %swap3A_411 = arith.constant 192 : index
    %swap3A_412 = tpu.vector_load %arg5[%swap3A_411] {strides = array<i32>} : memref<768xf32, #tpu.memory_space<vmem>>, vector<16xf32>,
    %swap3A_413 = vector.shape_cast %swap3A_412 : vector<16xf32> to vector<16xf32>
    %swap3A_414 = vector.shape_cast %add3A_401 : vector<16xf32> to vector<16xf32>
    tpu.vector_store %arg5[%swap3A_411], %swap3A_414 {strides = array<i32>} : memref<768xf32, #tpu.memory_space<vmem>>, vector<16xf32>,
    %swap3A_415 = arith.constant 576 : index
    %swap3A_416 = tpu.vector_load %arg5[%swap3A_415] {strides = array<i32>} : memref<768xf32, #tpu.memory_space<vmem>>, vector<16xf32>,
    %swap3A_417 = vector.shape_cast %swap3A_416 : vector<16xf32> to vector<16xf32>
    %swap3A_418 = vector.shape_cast %add3A_410 : vector<16xf32> to vector<16xf32>
    tpu.vector_store %arg5[%swap3A_415], %swap3A_418 {strides = array<i32>} : memref<768xf32, #tpu.memory_space<vmem>>, vector<16xf32>,
    %get3A_419 = arith.constant 208 : index
    %get3A_420 = tpu.vector_load %arg6[%get3A_419] {strides = array<i32>} : memref<384xf32, #tpu.memory_space<vmem>>, vector<16xf32>,
    %get3A_421 = vector.shape_cast %get3A_420 : vector<16xf32> to vector<16xf32>
    %mul3A_422 = arith.mulf %sub3A_36, %get3A_421 : vector<16xf32>
    %get3A_423 = arith.constant 208 : index
    %get3A_424 = tpu.vector_load %arg7[%get3A_423] {strides = array<i32>} : memref<384xf32, #tpu.memory_space<vmem>>, vector<16xf32>,
    %get3A_425 = vector.shape_cast %get3A_424 : vector<16xf32> to vector<16xf32>
    %mul3A_426 = arith.mulf %mul3A_33, %get3A_425 : vector<16xf32>
    %add3A_427 = arith.addf %mul3A_422, %mul3A_426 : vector<16xf32>
    %get3A_428 = arith.constant 208 : index
    %get3A_429 = tpu.vector_load %arg8[%get3A_428] {strides = array<i32>} : memref<384xf32, #tpu.memory_space<vmem>>, vector<16xf32>,
    %get3A_430 = vector.shape_cast %get3A_429 : vector<16xf32> to vector<16xf32>
    %mul3A_431 = arith.mulf %sub3A_36, %get3A_430 : vector<16xf32>
    %get3A_432 = arith.constant 208 : index
    %get3A_433 = tpu.vector_load %arg9[%get3A_432] {strides = array<i32>} : memref<384xf32, #tpu.memory_space<vmem>>, vector<16xf32>,
    %get3A_434 = vector.shape_cast %get3A_433 : vector<16xf32> to vector<16xf32>
    %mul3A_435 = arith.mulf %mul3A_33, %get3A_434 : vector<16xf32>
    %add3A_436 = arith.addf %mul3A_431, %mul3A_435 : vector<16xf32>
    %swap3A_437 = arith.constant 208 : index
    %swap3A_438 = tpu.vector_load %arg5[%swap3A_437] {strides = array<i32>} : memref<768xf32, #tpu.memory_space<vmem>>, vector<16xf32>,
    %swap3A_439 = vector.shape_cast %swap3A_438 : vector<16xf32> to vector<16xf32>
    %swap3A_440 = vector.shape_cast %add3A_427 : vector<16xf32> to vector<16xf32>
    tpu.vector_store %arg5[%swap3A_437], %swap3A_440 {strides = array<i32>} : memref<768xf32, #tpu.memory_space<vmem>>, vector<16xf32>,
    %swap3A_441 = arith.constant 592 : index
    %swap3A_442 = tpu.vector_load %arg5[%swap3A_441] {strides = array<i32>} : memref<768xf32, #tpu.memory_space<vmem>>, vector<16xf32>,
    %swap3A_443 = vector.shape_cast %swap3A_442 : vector<16xf32> to vector<16xf32>
    %swap3A_444 = vector.shape_cast %add3A_436 : vector<16xf32> to vector<16xf32>
    tpu.vector_store %arg5[%swap3A_441], %swap3A_444 {strides = array<i32>} : memref<768xf32, #tpu.memory_space<vmem>>, vector<16xf32>,
    %get3A_445 = arith.constant 224 : index
    %get3A_446 = tpu.vector_load %arg6[%get3A_445] {strides = array<i32>} : memref<384xf32, #tpu.memory_space<vmem>>, vector<16xf32>,
    %get3A_447 = vector.shape_cast %get3A_446 : vector<16xf32> to vector<16xf32>
    %mul3A_448 = arith.mulf %sub3A_36, %get3A_447 : vector<16xf32>
    %get3A_449 = arith.constant 224 : index
    %get3A_450 = tpu.vector_load %arg7[%get3A_449] {strides = array<i32>} : memref<384xf32, #tpu.memory_space<vmem>>, vector<16xf32>,
    %get3A_451 = vector.shape_cast %get3A_450 : vector<16xf32> to vector<16xf32>
    %mul3A_452 = arith.mulf %mul3A_33, %get3A_451 : vector<16xf32>
    %add3A_453 = arith.addf %mul3A_448, %mul3A_452 : vector<16xf32>
    %get3A_454 = arith.constant 224 : index
    %get3A_455 = tpu.vector_load %arg8[%get3A_454] {strides = array<i32>} : memref<384xf32, #tpu.memory_space<vmem>>, vector<16xf32>,
    %get3A_456 = vector.shape_cast %get3A_455 : vector<16xf32> to vector<16xf32>
    %mul3A_457 = arith.mulf %sub3A_36, %get3A_456 : vector<16xf32>
    %get3A_458 = arith.constant 224 : index
    %get3A_459 = tpu.vector_load %arg9[%get3A_458] {strides = array<i32>} : memref<384xf32, #tpu.memory_space<vmem>>, vector<16xf32>,
    %get3A_460 = vector.shape_cast %get3A_459 : vector<16xf32> to vector<16xf32>
    %mul3A_461 = arith.mulf %mul3A_33, %get3A_460 : vector<16xf32>
    %add3A_462 = arith.addf %mul3A_457, %mul3A_461 : vector<16xf32>
    %swap3A_463 = arith.constant 224 : index
    %swap3A_464 = tpu.vector_load %arg5[%swap3A_463] {strides = array<i32>} : memref<768xf32, #tpu.memory_space<vmem>>, vector<16xf32>,
    %swap3A_465 = vector.shape_cast %swap3A_464 : vector<16xf32> to vector<16xf32>
    %swap3A_466 = vector.shape_cast %add3A_453 : vector<16xf32> to vector<16xf32>
    tpu.vector_store %arg5[%swap3A_463], %swap3A_466 {strides = array<i32>} : memref<768xf32, #tpu.memory_space<vmem>>, vector<16xf32>,
    %swap3A_467 = arith.constant 608 : index
    %swap3A_468 = tpu.vector_load %arg5[%swap3A_467] {strides = array<i32>} : memref<768xf32, #tpu.memory_space<vmem>>, vector<16xf32>,
    %swap3A_469 = vector.shape_cast %swap3A_468 : vector<16xf32> to vector<16xf32>
    %swap3A_470 = vector.shape_cast %add3A_462 : vector<16xf32> to vector<16xf32>
    tpu.vector_store %arg5[%swap3A_467], %swap3A_470 {strides = array<i32>} : memref<768xf32, #tpu.memory_space<vmem>>, vector<16xf32>,
    %get3A_471 = arith.constant 240 : index
    %get3A_472 = tpu.vector_load %arg6[%get3A_471] {strides = array<i32>} : memref<384xf32, #tpu.memory_space<vmem>>, vector<16xf32>,
    %get3A_473 = vector.shape_cast %get3A_472 : vector<16xf32> to vector<16xf32>
    %mul3A_474 = arith.mulf %sub3A_36, %get3A_473 : vector<16xf32>
    %get3A_475 = arith.constant 240 : index
    %get3A_476 = tpu.vector_load %arg7[%get3A_475] {strides = array<i32>} : memref<384xf32, #tpu.memory_space<vmem>>, vector<16xf32>,
    %get3A_477 = vector.shape_cast %get3A_476 : vector<16xf32> to vector<16xf32>
    %mul3A_478 = arith.mulf %mul3A_33, %get3A_477 : vector<16xf32>
    %add3A_479 = arith.addf %mul3A_474, %mul3A_478 : vector<16xf32>
    %get3A_480 = arith.constant 240 : index
    %get3A_481 = tpu.vector_load %arg8[%get3A_480] {strides = array<i32>} : memref<384xf32, #tpu.memory_space<vmem>>, vector<16xf32>,
    %get3A_482 = vector.shape_cast %get3A_481 : vector<16xf32> to vector<16xf32>
    %mul3A_483 = arith.mulf %sub3A_36, %get3A_482 : vector<16xf32>
    %get3A_484 = arith.constant 240 : index
    %get3A_485 = tpu.vector_load %arg9[%get3A_484] {strides = array<i32>} : memref<384xf32, #tpu.memory_space<vmem>>, vector<16xf32>,
    %get3A_486 = vector.shape_cast %get3A_485 : vector<16xf32> to vector<16xf32>
    %mul3A_487 = arith.mulf %mul3A_33, %get3A_486 : vector<16xf32>
    %add3A_488 = arith.addf %mul3A_483, %mul3A_487 : vector<16xf32>
    %swap3A_489 = arith.constant 240 : index
    %swap3A_490 = tpu.vector_load %arg5[%swap3A_489] {strides = array<i32>} : memref<768xf32, #tpu.memory_space<vmem>>, vector<16xf32>,
    %swap3A_491 = vector.shape_cast %swap3A_490 : vector<16xf32> to vector<16xf32>
    %swap3A_492 = vector.shape_cast %add3A_479 : vector<16xf32> to vector<16xf32>
    tpu.vector_store %arg5[%swap3A_489], %swap3A_492 {strides = array<i32>} : memref<768xf32, #tpu.memory_space<vmem>>, vector<16xf32>,
    %swap3A_493 = arith.constant 624 : index
    %swap3A_494 = tpu.vector_load %arg5[%swap3A_493] {strides = array<i32>} : memref<768xf32, #tpu.memory_space<vmem>>, vector<16xf32>,
    %swap3A_495 = vector.shape_cast %swap3A_494 : vector<16xf32> to vector<16xf32>
    %swap3A_496 = vector.shape_cast %add3A_488 : vector<16xf32> to vector<16xf32>
    tpu.vector_store %arg5[%swap3A_493], %swap3A_496 {strides = array<i32>} : memref<768xf32, #tpu.memory_space<vmem>>, vector<16xf32>,
    %get3A_497 = arith.constant 256 : index
    %get3A_498 = tpu.vector_load %arg6[%get3A_497] {strides = array<i32>} : memref<384xf32, #tpu.memory_space<vmem>>, vector<16xf32>,
    %get3A_499 = vector.shape_cast %get3A_498 : vector<16xf32> to vector<16xf32>
    %mul3A_500 = arith.mulf %sub3A_36, %get3A_499 : vector<16xf32>
    %get3A_501 = arith.constant 256 : index
    %get3A_502 = tpu.vector_load %arg7[%get3A_501] {strides = array<i32>} : memref<384xf32, #tpu.memory_space<vmem>>, vector<16xf32>,
    %get3A_503 = vector.shape_cast %get3A_502 : vector<16xf32> to vector<16xf32>
    %mul3A_504 = arith.mulf %mul3A_33, %get3A_503 : vector<16xf32>
    %add3A_505 = arith.addf %mul3A_500, %mul3A_504 : vector<16xf32>
    %get3A_506 = arith.constant 256 : index
    %get3A_507 = tpu.vector_load %arg8[%get3A_506] {strides = array<i32>} : memref<384xf32, #tpu.memory_space<vmem>>, vector<16xf32>,
    %get3A_508 = vector.shape_cast %get3A_507 : vector<16xf32> to vector<16xf32>
    %mul3A_509 = arith.mulf %sub3A_36, %get3A_508 : vector<16xf32>
    %get3A_510 = arith.constant 256 : index
    %get3A_511 = tpu.vector_load %arg9[%get3A_510] {strides = array<i32>} : memref<384xf32, #tpu.memory_space<vmem>>, vector<16xf32>,
    %get3A_512 = vector.shape_cast %get3A_511 : vector<16xf32> to vector<16xf32>
    %mul3A_513 = arith.mulf %mul3A_33, %get3A_512 : vector<16xf32>
    %add3A_514 = arith.addf %mul3A_509, %mul3A_513 : vector<16xf32>
    %swap3A_515 = arith.constant 256 : index
    %swap3A_516 = tpu.vector_load %arg5[%swap3A_515] {strides = array<i32>} : memref<768xf32, #tpu.memory_space<vmem>>, vector<16xf32>,
    %swap3A_517 = vector.shape_cast %swap3A_516 : vector<16xf32> to vector<16xf32>
    %swap3A_518 = vector.shape_cast %add3A_505 : vector<16xf32> to vector<16xf32>
    tpu.vector_store %arg5[%swap3A_515], %swap3A_518 {strides = array<i32>} : memref<768xf32, #tpu.memory_space<vmem>>, vector<16xf32>,
    %swap3A_519 = arith.constant 640 : index
    %swap3A_520 = tpu.vector_load %arg5[%swap3A_519] {strides = array<i32>} : memref<768xf32, #tpu.memory_space<vmem>>, vector<16xf32>,
    %swap3A_521 = vector.shape_cast %swap3A_520 : vector<16xf32> to vector<16xf32>
    %swap3A_522 = vector.shape_cast %add3A_514 : vector<16xf32> to vector<16xf32>
    tpu.vector_store %arg5[%swap3A_519], %swap3A_522 {strides = array<i32>} : memref<768xf32, #tpu.memory_space<vmem>>, vector<16xf32>,
    %get3A_523 = arith.constant 272 : index
    %get3A_524 = tpu.vector_load %arg6[%get3A_523] {strides = array<i32>} : memref<384xf32, #tpu.memory_space<vmem>>, vector<16xf32>,
    %get3A_525 = vector.shape_cast %get3A_524 : vector<16xf32> to vector<16xf32>
    %mul3A_526 = arith.mulf %sub3A_36, %get3A_525 : vector<16xf32>
    %get3A_527 = arith.constant 272 : index
    %get3A_528 = tpu.vector_load %arg7[%get3A_527] {strides = array<i32>} : memref<384xf32, #tpu.memory_space<vmem>>, vector<16xf32>,
    %get3A_529 = vector.shape_cast %get3A_528 : vector<16xf32> to vector<16xf32>
    %mul3A_530 = arith.mulf %mul3A_33, %get3A_529 : vector<16xf32>
    %add3A_531 = arith.addf %mul3A_526, %mul3A_530 : vector<16xf32>
    %get3A_532 = arith.constant 272 : index
    %get3A_533 = tpu.vector_load %arg8[%get3A_532] {strides = array<i32>} : memref<384xf32, #tpu.memory_space<vmem>>, vector<16xf32>,
    %get3A_534 = vector.shape_cast %get3A_533 : vector<16xf32> to vector<16xf32>
    %mul3A_535 = arith.mulf %sub3A_36, %get3A_534 : vector<16xf32>
    %get3A_536 = arith.constant 272 : index
    %get3A_537 = tpu.vector_load %arg9[%get3A_536] {strides = array<i32>} : memref<384xf32, #tpu.memory_space<vmem>>, vector<16xf32>,
    %get3A_538 = vector.shape_cast %get3A_537 : vector<16xf32> to vector<16xf32>
    %mul3A_539 = arith.mulf %mul3A_33, %get3A_538 : vector<16xf32>
    %add3A_540 = arith.addf %mul3A_535, %mul3A_539 : vector<16xf32>
    %swap3A_541 = arith.constant 272 : index
    %swap3A_542 = tpu.vector_load %arg5[%swap3A_541] {strides = array<i32>} : memref<768xf32, #tpu.memory_space<vmem>>, vector<16xf32>,
    %swap3A_543 = vector.shape_cast %swap3A_542 : vector<16xf32> to vector<16xf32>
    %swap3A_544 = vector.shape_cast %add3A_531 : vector<16xf32> to vector<16xf32>
    tpu.vector_store %arg5[%swap3A_541], %swap3A_544 {strides = array<i32>} : memref<768xf32, #tpu.memory_space<vmem>>, vector<16xf32>,
    %swap3A_545 = arith.constant 656 : index
    %swap3A_546 = tpu.vector_load %arg5[%swap3A_545] {strides = array<i32>} : memref<768xf32, #tpu.memory_space<vmem>>, vector<16xf32>,
    %swap3A_547 = vector.shape_cast %swap3A_546 : vector<16xf32> to vector<16xf32>
    %swap3A_548 = vector.shape_cast %add3A_540 : vector<16xf32> to vector<16xf32>
    tpu.vector_store %arg5[%swap3A_545], %swap3A_548 {strides = array<i32>} : memref<768xf32, #tpu.memory_space<vmem>>, vector<16xf32>,
    %get3A_549 = arith.constant 288 : index
    %get3A_550 = tpu.vector_load %arg6[%get3A_549] {strides = array<i32>} : memref<384xf32, #tpu.memory_space<vmem>>, vector<16xf32>,
    %get3A_551 = vector.shape_cast %get3A_550 : vector<16xf32> to vector<16xf32>
    %mul3A_552 = arith.mulf %sub3A_36, %get3A_551 : vector<16xf32>
    %get3A_553 = arith.constant 288 : index
    %get3A_554 = tpu.vector_load %arg7[%get3A_553] {strides = array<i32>} : memref<384xf32, #tpu.memory_space<vmem>>, vector<16xf32>,
    %get3A_555 = vector.shape_cast %get3A_554 : vector<16xf32> to vector<16xf32>
    %mul3A_556 = arith.mulf %mul3A_33, %get3A_555 : vector<16xf32>
    %add3A_557 = arith.addf %mul3A_552, %mul3A_556 : vector<16xf32>
    %get3A_558 = arith.constant 288 : index
    %get3A_559 = tpu.vector_load %arg8[%get3A_558] {strides = array<i32>} : memref<384xf32, #tpu.memory_space<vmem>>, vector<16xf32>,
    %get3A_560 = vector.shape_cast %get3A_559 : vector<16xf32> to vector<16xf32>
    %mul3A_561 = arith.mulf %sub3A_36, %get3A_560 : vector<16xf32>
    %get3A_562 = arith.constant 288 : index
    %get3A_563 = tpu.vector_load %arg9[%get3A_562] {strides = array<i32>} : memref<384xf32, #tpu.memory_space<vmem>>, vector<16xf32>,
    %get3A_564 = vector.shape_cast %get3A_563 : vector<16xf32> to vector<16xf32>
    %mul3A_565 = arith.mulf %mul3A_33, %get3A_564 : vector<16xf32>
    %add3A_566 = arith.addf %mul3A_561, %mul3A_565 : vector<16xf32>
    %swap3A_567 = arith.constant 288 : index
    %swap3A_568 = tpu.vector_load %arg5[%swap3A_567] {strides = array<i32>} : memref<768xf32, #tpu.memory_space<vmem>>, vector<16xf32>,
    %swap3A_569 = vector.shape_cast %swap3A_568 : vector<16xf32> to vector<16xf32>
    %swap3A_570 = vector.shape_cast %add3A_557 : vector<16xf32> to vector<16xf32>
    tpu.vector_store %arg5[%swap3A_567], %swap3A_570 {strides = array<i32>} : memref<768xf32, #tpu.memory_space<vmem>>, vector<16xf32>,
    %swap3A_571 = arith.constant 672 : index
    %swap3A_572 = tpu.vector_load %arg5[%swap3A_571] {strides = array<i32>} : memref<768xf32, #tpu.memory_space<vmem>>, vector<16xf32>,
    %swap3A_573 = vector.shape_cast %swap3A_572 : vector<16xf32> to vector<16xf32>
    %swap3A_574 = vector.shape_cast %add3A_566 : vector<16xf32> to vector<16xf32>
    tpu.vector_store %arg5[%swap3A_571], %swap3A_574 {strides = array<i32>} : memref<768xf32, #tpu.memory_space<vmem>>, vector<16xf32>,
    %get3A_575 = arith.constant 304 : index
    %get3A_576 = tpu.vector_load %arg6[%get3A_575] {strides = array<i32>} : memref<384xf32, #tpu.memory_space<vmem>>, vector<16xf32>,
    %get3A_577 = vector.shape_cast %get3A_576 : vector<16xf32> to vector<16xf32>
    %mul3A_578 = arith.mulf %sub3A_36, %get3A_577 : vector<16xf32>
    %get3A_579 = arith.constant 304 : index
    %get3A_580 = tpu.vector_load %arg7[%get3A_579] {strides = array<i32>} : memref<384xf32, #tpu.memory_space<vmem>>, vector<16xf32>,
    %get3A_581 = vector.shape_cast %get3A_580 : vector<16xf32> to vector<16xf32>
    %mul3A_582 = arith.mulf %mul3A_33, %get3A_581 : vector<16xf32>
    %add3A_583 = arith.addf %mul3A_578, %mul3A_582 : vector<16xf32>
    %get3A_584 = arith.constant 304 : index
    %get3A_585 = tpu.vector_load %arg8[%get3A_584] {strides = array<i32>} : memref<384xf32, #tpu.memory_space<vmem>>, vector<16xf32>,
    %get3A_586 = vector.shape_cast %get3A_585 : vector<16xf32> to vector<16xf32>
    %mul3A_587 = arith.mulf %sub3A_36, %get3A_586 : vector<16xf32>
    %get3A_588 = arith.constant 304 : index
    %get3A_589 = tpu.vector_load %arg9[%get3A_588] {strides = array<i32>} : memref<384xf32, #tpu.memory_space<vmem>>, vector<16xf32>,
    %get3A_590 = vector.shape_cast %get3A_589 : vector<16xf32> to vector<16xf32>
    %mul3A_591 = arith.mulf %mul3A_33, %get3A_590 : vector<16xf32>
    %add3A_592 = arith.addf %mul3A_587, %mul3A_591 : vector<16xf32>
    %swap3A_593 = arith.constant 304 : index
    %swap3A_594 = tpu.vector_load %arg5[%swap3A_593] {strides = array<i32>} : memref<768xf32, #tpu.memory_space<vmem>>, vector<16xf32>,
    %swap3A_595 = vector.shape_cast %swap3A_594 : vector<16xf32> to vector<16xf32>
    %swap3A_596 = vector.shape_cast %add3A_583 : vector<16xf32> to vector<16xf32>
    tpu.vector_store %arg5[%swap3A_593], %swap3A_596 {strides = array<i32>} : memref<768xf32, #tpu.memory_space<vmem>>, vector<16xf32>,
    %swap3A_597 = arith.constant 688 : index
    %swap3A_598 = tpu.vector_load %arg5[%swap3A_597] {strides = array<i32>} : memref<768xf32, #tpu.memory_space<vmem>>, vector<16xf32>,
    %swap3A_599 = vector.shape_cast %swap3A_598 : vector<16xf32> to vector<16xf32>
    %swap3A_600 = vector.shape_cast %add3A_592 : vector<16xf32> to vector<16xf32>
    tpu.vector_store %arg5[%swap3A_597], %swap3A_600 {strides = array<i32>} : memref<768xf32, #tpu.memory_space<vmem>>, vector<16xf32>,
    %get3A_601 = arith.constant 320 : index
    %get3A_602 = tpu.vector_load %arg6[%get3A_601] {strides = array<i32>} : memref<384xf32, #tpu.memory_space<vmem>>, vector<16xf32>,
    %get3A_603 = vector.shape_cast %get3A_602 : vector<16xf32> to vector<16xf32>
    %mul3A_604 = arith.mulf %sub3A_36, %get3A_603 : vector<16xf32>
    %get3A_605 = arith.constant 320 : index
    %get3A_606 = tpu.vector_load %arg7[%get3A_605] {strides = array<i32>} : memref<384xf32, #tpu.memory_space<vmem>>, vector<16xf32>,
    %get3A_607 = vector.shape_cast %get3A_606 : vector<16xf32> to vector<16xf32>
    %mul3A_608 = arith.mulf %mul3A_33, %get3A_607 : vector<16xf32>
    %add3A_609 = arith.addf %mul3A_604, %mul3A_608 : vector<16xf32>
    %get3A_610 = arith.constant 320 : index
    %get3A_611 = tpu.vector_load %arg8[%get3A_610] {strides = array<i32>} : memref<384xf32, #tpu.memory_space<vmem>>, vector<16xf32>,
    %get3A_612 = vector.shape_cast %get3A_611 : vector<16xf32> to vector<16xf32>
    %mul3A_613 = arith.mulf %sub3A_36, %get3A_612 : vector<16xf32>
    %get3A_614 = arith.constant 320 : index
    %get3A_615 = tpu.vector_load %arg9[%get3A_614] {strides = array<i32>} : memref<384xf32, #tpu.memory_space<vmem>>, vector<16xf32>,
    %get3A_616 = vector.shape_cast %get3A_615 : vector<16xf32> to vector<16xf32>
    %mul3A_617 = arith.mulf %mul3A_33, %get3A_616 : vector<16xf32>
    %add3A_618 = arith.addf %mul3A_613, %mul3A_617 : vector<16xf32>
    %swap3A_619 = arith.constant 320 : index
    %swap3A_620 = tpu.vector_load %arg5[%swap3A_619] {strides = array<i32>} : memref<768xf32, #tpu.memory_space<vmem>>, vector<16xf32>,
    %swap3A_621 = vector.shape_cast %swap3A_620 : vector<16xf32> to vector<16xf32>
    %swap3A_622 = vector.shape_cast %add3A_609 : vector<16xf32> to vector<16xf32>
    tpu.vector_store %arg5[%swap3A_619], %swap3A_622 {strides = array<i32>} : memref<768xf32, #tpu.memory_space<vmem>>, vector<16xf32>,
    %swap3A_623 = arith.constant 704 : index
    %swap3A_624 = tpu.vector_load %arg5[%swap3A_623] {strides = array<i32>} : memref<768xf32, #tpu.memory_space<vmem>>, vector<16xf32>,
    %swap3A_625 = vector.shape_cast %swap3A_624 : vector<16xf32> to vector<16xf32>
    %swap3A_626 = vector.shape_cast %add3A_618 : vector<16xf32> to vector<16xf32>
    tpu.vector_store %arg5[%swap3A_623], %swap3A_626 {strides = array<i32>} : memref<768xf32, #tpu.memory_space<vmem>>, vector<16xf32>,
    %get3A_627 = arith.constant 336 : index
    %get3A_628 = tpu.vector_load %arg6[%get3A_627] {strides = array<i32>} : memref<384xf32, #tpu.memory_space<vmem>>, vector<16xf32>,
    %get3A_629 = vector.shape_cast %get3A_628 : vector<16xf32> to vector<16xf32>
    %mul3A_630 = arith.mulf %sub3A_36, %get3A_629 : vector<16xf32>
    %get3A_631 = arith.constant 336 : index
    %get3A_632 = tpu.vector_load %arg7[%get3A_631] {strides = array<i32>} : memref<384xf32, #tpu.memory_space<vmem>>, vector<16xf32>,
    %get3A_633 = vector.shape_cast %get3A_632 : vector<16xf32> to vector<16xf32>
    %mul3A_634 = arith.mulf %mul3A_33, %get3A_633 : vector<16xf32>
    %add3A_635 = arith.addf %mul3A_630, %mul3A_634 : vector<16xf32>
    %get3A_636 = arith.constant 336 : index
    %get3A_637 = tpu.vector_load %arg8[%get3A_636] {strides = array<i32>} : memref<384xf32, #tpu.memory_space<vmem>>, vector<16xf32>,
    %get3A_638 = vector.shape_cast %get3A_637 : vector<16xf32> to vector<16xf32>
    %mul3A_639 = arith.mulf %sub3A_36, %get3A_638 : vector<16xf32>
    %get3A_640 = arith.constant 336 : index
    %get3A_641 = tpu.vector_load %arg9[%get3A_640] {strides = array<i32>} : memref<384xf32, #tpu.memory_space<vmem>>, vector<16xf32>,
    %get3A_642 = vector.shape_cast %get3A_641 : vector<16xf32> to vector<16xf32>
    %mul3A_643 = arith.mulf %mul3A_33, %get3A_642 : vector<16xf32>
    %add3A_644 = arith.addf %mul3A_639, %mul3A_643 : vector<16xf32>
    %swap3A_645 = arith.constant 336 : index
    %swap3A_646 = tpu.vector_load %arg5[%swap3A_645] {strides = array<i32>} : memref<768xf32, #tpu.memory_space<vmem>>, vector<16xf32>,
    %swap3A_647 = vector.shape_cast %swap3A_646 : vector<16xf32> to vector<16xf32>
    %swap3A_648 = vector.shape_cast %add3A_635 : vector<16xf32> to vector<16xf32>
    tpu.vector_store %arg5[%swap3A_645], %swap3A_648 {strides = array<i32>} : memref<768xf32, #tpu.memory_space<vmem>>, vector<16xf32>,
    %swap3A_649 = arith.constant 720 : index
    %swap3A_650 = tpu.vector_load %arg5[%swap3A_649] {strides = array<i32>} : memref<768xf32, #tpu.memory_space<vmem>>, vector<16xf32>,
    %swap3A_651 = vector.shape_cast %swap3A_650 : vector<16xf32> to vector<16xf32>
    %swap3A_652 = vector.shape_cast %add3A_644 : vector<16xf32> to vector<16xf32>
    tpu.vector_store %arg5[%swap3A_649], %swap3A_652 {strides = array<i32>} : memref<768xf32, #tpu.memory_space<vmem>>, vector<16xf32>,
    %get3A_653 = arith.constant 352 : index
    %get3A_654 = tpu.vector_load %arg6[%get3A_653] {strides = array<i32>} : memref<384xf32, #tpu.memory_space<vmem>>, vector<16xf32>,
    %get3A_655 = vector.shape_cast %get3A_654 : vector<16xf32> to vector<16xf32>
    %mul3A_656 = arith.mulf %sub3A_36, %get3A_655 : vector<16xf32>
    %get3A_657 = arith.constant 352 : index
    %get3A_658 = tpu.vector_load %arg7[%get3A_657] {strides = array<i32>} : memref<384xf32, #tpu.memory_space<vmem>>, vector<16xf32>,
    %get3A_659 = vector.shape_cast %get3A_658 : vector<16xf32> to vector<16xf32>
    %mul3A_660 = arith.mulf %mul3A_33, %get3A_659 : vector<16xf32>
    %add3A_661 = arith.addf %mul3A_656, %mul3A_660 : vector<16xf32>
    %get3A_662 = arith.constant 352 : index
    %get3A_663 = tpu.vector_load %arg8[%get3A_662] {strides = array<i32>} : memref<384xf32, #tpu.memory_space<vmem>>, vector<16xf32>,
    %get3A_664 = vector.shape_cast %get3A_663 : vector<16xf32> to vector<16xf32>
    %mul3A_665 = arith.mulf %sub3A_36, %get3A_664 : vector<16xf32>
    %get3A_666 = arith.constant 352 : index
    %get3A_667 = tpu.vector_load %arg9[%get3A_666] {strides = array<i32>} : memref<384xf32, #tpu.memory_space<vmem>>, vector<16xf32>,
    %get3A_668 = vector.shape_cast %get3A_667 : vector<16xf32> to vector<16xf32>
    %mul3A_669 = arith.mulf %mul3A_33, %get3A_668 : vector<16xf32>
    %add3A_670 = arith.addf %mul3A_665, %mul3A_669 : vector<16xf32>
    %swap3A_671 = arith.constant 352 : index
    %swap3A_672 = tpu.vector_load %arg5[%swap3A_671] {strides = array<i32>} : memref<768xf32, #tpu.memory_space<vmem>>, vector<16xf32>,
    %swap3A_673 = vector.shape_cast %swap3A_672 : vector<16xf32> to vector<16xf32>
    %swap3A_674 = vector.shape_cast %add3A_661 : vector<16xf32> to vector<16xf32>
    tpu.vector_store %arg5[%swap3A_671], %swap3A_674 {strides = array<i32>} : memref<768xf32, #tpu.memory_space<vmem>>, vector<16xf32>,
    %swap3A_675 = arith.constant 736 : index
    %swap3A_676 = tpu.vector_load %arg5[%swap3A_675] {strides = array<i32>} : memref<768xf32, #tpu.memory_space<vmem>>, vector<16xf32>,
    %swap3A_677 = vector.shape_cast %swap3A_676 : vector<16xf32> to vector<16xf32>
    %swap3A_678 = vector.shape_cast %add3A_670 : vector<16xf32> to vector<16xf32>
    tpu.vector_store %arg5[%swap3A_675], %swap3A_678 {strides = array<i32>} : memref<768xf32, #tpu.memory_space<vmem>>, vector<16xf32>,
    %get3A_679 = arith.constant 368 : index
    %get3A_680 = tpu.vector_load %arg6[%get3A_679] {strides = array<i32>} : memref<384xf32, #tpu.memory_space<vmem>>, vector<16xf32>,
    %get3A_681 = vector.shape_cast %get3A_680 : vector<16xf32> to vector<16xf32>
    %mul3A_682 = arith.mulf %sub3A_36, %get3A_681 : vector<16xf32>
    %get3A_683 = arith.constant 368 : index
    %get3A_684 = tpu.vector_load %arg7[%get3A_683] {strides = array<i32>} : memref<384xf32, #tpu.memory_space<vmem>>, vector<16xf32>,
    %get3A_685 = vector.shape_cast %get3A_684 : vector<16xf32> to vector<16xf32>
    %mul3A_686 = arith.mulf %mul3A_33, %get3A_685 : vector<16xf32>
    %add3A_687 = arith.addf %mul3A_682, %mul3A_686 : vector<16xf32>
    %get3A_688 = arith.constant 368 : index
    %get3A_689 = tpu.vector_load %arg8[%get3A_688] {strides = array<i32>} : memref<384xf32, #tpu.memory_space<vmem>>, vector<16xf32>,
    %get3A_690 = vector.shape_cast %get3A_689 : vector<16xf32> to vector<16xf32>
    %mul3A_691 = arith.mulf %sub3A_36, %get3A_690 : vector<16xf32>
    %get3A_692 = arith.constant 368 : index
    %get3A_693 = tpu.vector_load %arg9[%get3A_692] {strides = array<i32>} : memref<384xf32, #tpu.memory_space<vmem>>, vector<16xf32>,
    %get3A_694 = vector.shape_cast %get3A_693 : vector<16xf32> to vector<16xf32>
    %mul3A_695 = arith.mulf %mul3A_33, %get3A_694 : vector<16xf32>
    %add3A_696 = arith.addf %mul3A_691, %mul3A_695 : vector<16xf32>
    %swap3A_697 = arith.constant 368 : index
    %swap3A_698 = tpu.vector_load %arg5[%swap3A_697] {strides = array<i32>} : memref<768xf32, #tpu.memory_space<vmem>>, vector<16xf32>,
    %swap3A_699 = vector.shape_cast %swap3A_698 : vector<16xf32> to vector<16xf32>
    %swap3A_700 = vector.shape_cast %add3A_687 : vector<16xf32> to vector<16xf32>
    tpu.vector_store %arg5[%swap3A_697], %swap3A_700 {strides = array<i32>} : memref<768xf32, #tpu.memory_space<vmem>>, vector<16xf32>,
    %swap3A_701 = arith.constant 752 : index
    %swap3A_702 = tpu.vector_load %arg5[%swap3A_701] {strides = array<i32>} : memref<768xf32, #tpu.memory_space<vmem>>, vector<16xf32>,
    %swap3A_703 = vector.shape_cast %swap3A_702 : vector<16xf32> to vector<16xf32>
    %swap3A_704 = vector.shape_cast %add3A_696 : vector<16xf32> to vector<16xf32>
    tpu.vector_store %arg5[%swap3A_701], %swap3A_704 {strides = array<i32>} : memref<768xf32, #tpu.memory_space<vmem>>, vector<16xf32>,
    "tpu.region"() ({
      %run_scoped3A = tpu.sem_alloc : memref<!tpu.dma_semaphore, #tpu.memory_space<semaphore_mem>>
      %dma_start3A_705 = arith.constant 0 : i32
      %dma_start3A_706 = tpu.memref_slice %arg4[%add3A, %dma_start3A_705] : memref<32x768xf32, #tpu.memory_space<hbm>> -> memref<1x768xf32, #tpu.memory_space<hbm>>
      %dma_start3A_707 = tpu.memref_squeeze %dma_start3A_706 : memref<1x768xf32, #tpu.memory_space<hbm>> -> memref<768xf32, #tpu.memory_space<hbm>>
      %dma_start3A_708 = arith.constant 0 : i32
      %dma_start3A_709 = tpu.memref_slice %arg4[%add3A, %dma_start3A_708] : memref<32x768xf32, #tpu.memory_space<hbm>> -> memref<1x768xf32, #tpu.memory_space<hbm>>
      %dma_start3A_710 = tpu.memref_squeeze %dma_start3A_709 : memref<1x768xf32, #tpu.memory_space<hbm>> -> memref<768xf32, #tpu.memory_space<hbm>>
      tpu.enqueue_dma source(%arg5 : memref<768xf32, #tpu.memory_space<vmem>>) target(%dma_start3A_710 : memref<768xf32, #tpu.memory_space<hbm>>) target_semaphore(%run_scoped3A : memref<!tpu.dma_semaphore, #tpu.memory_space<semaphore_mem>>)
      %dma_wait3A_711 = arith.constant 0 : i32
      %dma_wait3A_712 = tpu.memref_slice %arg4[%add3A, %dma_wait3A_711] : memref<32x768xf32, #tpu.memory_space<hbm>> -> memref<1x768xf32, #tpu.memory_space<hbm>>
      %dma_wait3A_713 = tpu.memref_squeeze %dma_wait3A_712 : memref<1x768xf32, #tpu.memory_space<hbm>> -> memref<768xf32, #tpu.memory_space<hbm>>
      %dma_wait3A_714 = arith.constant 0 : i32
      %dma_wait3A_715 = tpu.memref_slice %arg4[%add3A, %dma_wait3A_714] : memref<32x768xf32, #tpu.memory_space<hbm>> -> memref<1x768xf32, #tpu.memory_space<hbm>>
      %dma_wait3A_716 = tpu.memref_squeeze %dma_wait3A_715 : memref<1x768xf32, #tpu.memory_space<hbm>> -> memref<768xf32, #tpu.memory_space<hbm>>
      tpu.wait_dma2 semaphore(%run_scoped3A : memref<!tpu.dma_semaphore, #tpu.memory_space<semaphore_mem>>) src(%arg5 : memref<768xf32, #tpu.memory_space<vmem>>) dst(%dma_wait3A_716 : memref<768xf32, #tpu.memory_space<hbm>>)
      tpu.yield
    }) : () -> ()
    return
  }
}

module attributes {stable_mosaic.version = 14 : i64} {
  func.func @_bcast_body(%arg0: i32, %arg1: memref<32x768xf32, #tpu.memory_space<vmem>>, %arg2: memref<4x1024x768xf32, #tpu.memory_space<vmem>>) attributes {dimension_semantics = [#tpu.dimension_semantics<arbitrary>], iteration_bounds = array<i64: 8>, scalar_prefetch = 0 : i64, scratch_operands = 0 : i64, tpu.core_type = #tpu.core_type<tc>, window_params = [{pipeline_mode = #tpu.pipeline_mode<synchronous>, transform_indices = @transform_0, window_bounds = array<i64: 32, 768>}, {transform_indices = @transform_1, window_bounds = array<i64: 4, 1024, 768>}]} {
    %get3A = arith.constant 0 : index
    %get3A_0 = arith.constant 0 : index
    %get3A_1 = vector.load %arg1[%get3A, %get3A_0] : memref<32x768xf32, #tpu.memory_space<vmem>>, vector<32x384xf32>
    %get3A_2 = arith.constant 0 : index
    %get3A_3 = arith.constant 384 : index
    %get3A_4 = vector.load %arg1[%get3A_2, %get3A_3] : memref<32x768xf32, #tpu.memory_space<vmem>>, vector<32x384xf32>
    %broadcast_in_dim3A = vector.shape_cast %get3A_1 : vector<32x384xf32> to vector<1x32x384xf32>
    %broadcast_in_dim3A_5 = vector.shape_cast %broadcast_in_dim3A : vector<1x32x384xf32> to vector<1x32x384xf32>
    %broadcast_in_dim3A_6 = vector.broadcast %broadcast_in_dim3A_5 : vector<1x32x384xf32> to vector<32x32x384xf32>
    %reshape3A = vector.shape_cast %broadcast_in_dim3A_6 : vector<32x32x384xf32> to vector<1024x384xf32>
    %broadcast_in_dim3A_7 = vector.shape_cast %get3A_4 : vector<32x384xf32> to vector<32x1x384xf32>
    %broadcast_in_dim3A_8 = vector.shape_cast %broadcast_in_dim3A_7 : vector<32x1x384xf32> to vector<32x1x384xf32>
    %broadcast_in_dim3A_9 = vector.broadcast %broadcast_in_dim3A_8 : vector<32x1x384xf32> to vector<32x32x384xf32>
    %reshape3A_10 = vector.shape_cast %broadcast_in_dim3A_9 : vector<32x32x384xf32> to vector<1024x384xf32>
    %concatenate3A = tpu.concatenate %reshape3A, %reshape3A_10 in 1 : vector<1024x384xf32>, vector<1024x384xf32> -> vector<1024x768xf32>
    %broadcast_in_dim3A_11 = vector.shape_cast %concatenate3A : vector<1024x768xf32> to vector<1x1024x768xf32>
    %broadcast_in_dim3A_12 = vector.shape_cast %broadcast_in_dim3A_11 : vector<1x1024x768xf32> to vector<1x1024x768xf32>
    %broadcast_in_dim3A_13 = vector.broadcast %broadcast_in_dim3A_12 : vector<1x1024x768xf32> to vector<4x1024x768xf32>
    %swap3A = arith.constant 0 : index
    %swap3A_14 = arith.constant 0 : index
    %swap3A_15 = arith.constant 0 : index
    %swap3A_16 = vector.load %arg2[%swap3A, %swap3A_14, %swap3A_15] : memref<4x1024x768xf32, #tpu.memory_space<vmem>>, vector<4x1024x768xf32>
    tpu.vector_store %arg2[%swap3A, %swap3A_14, %swap3A_15], %broadcast_in_dim3A_13 {strides = array<i32>} : memref<4x1024x768xf32, #tpu.memory_space<vmem>>, vector<4x1024x768xf32>,
    return
  }
  func.func @transform_0(%arg0: i32) -> (i32, i32) {
    %c0_i32 = arith.constant 0 : i32
    %c0_i32_0 = arith.constant 0 : i32
    %c0_i32_1 = arith.constant 0 : i32
    return %c0_i32, %c0_i32_0 : i32, i32
  }
  func.func @transform_1(%arg0: i32) -> (i32, i32, i32) {
    %c0_i32 = arith.constant 0 : i32
    %c0_i32_0 = arith.constant 0 : i32
    %c0_i32_1 = arith.constant 0 : i32
    return %arg0, %c0_i32, %c0_i32_0 : i32, i32, i32
  }
}

</mosaic_0001>

<sc_bundles>
// kernel: kernel.4.cloned.1.call-start
scs
__scs_entry_jumppad:
0x0: {  	(pc) =	sbr.rel $0x88, $3  }
0x1: {  	(tag) =	ssettag $0x0;
	lr =	simm.s32 $0x1  }
0x2: {  	[smem:$0x3F9F] =	sst lr;
	_ =	strace $0xD0000000  }
0x3: {  	_ = 	snop  }
0x4: {  	_ = 	snop  }
0x5: {  	_ = 	snop  }
0x6: {  	_ = 	snop  }
0x7: {  	_ = 	snop  }
__scs_overlays_trampoline_lowered:
0x8: {  	[smem:$0x3FAE] =	sst s0  }
0x9: {  	[smem:$0x3FAF] =	sst s1  }
0xa: {  	[smem:$0x3FB0] =	sst s2  }
0xb: {  	[smem:$0x3FB1] =	sst s3  }
0xc: {  	[smem:$0x3FB2] =	sst s4  }
0xd: {  	[smem:$0x3FB3] =	sst s5  }
0xe: {  	[smem:$0x3FB4] =	sst s6  }
0xf: {  	[smem:$0x3FB5] =	sst s7  }
0x10: {  	[smem:$0x3FB6] =	sst s8  }
0x11: {  	[smem:$0x3FB7] =	sst s9;
	s0 =	simm.s32 @!p0 $0x0  }
0x12: {  	s1 =	sld [smem:$0x3F9D];
	s0 =	simm.s32 @p0 $0x1  }
0x13: {  	[smem:$0x3FB8] =	sst s0;
	s0 =	simm.s32 @!p1 $0x0  }
0x14: {  	s2 =	sld [smem:$0x3F9C];
	s0 =	simm.s32 @p1 $0x1  }
0x15: {  	[smem:$0x3FB9] =	sst s0;
	s0 =	simm.s32 @!p2 $0x0  }
0x16: {  	s3 =	sld [smem:$0x3FDB];
	s0 =	simm.s32 @p2 $0x1  }
0x17: {  	s4 =	simm.s32 $0x1BF5;
	[smem:$0x3FBB] =	sst s0  }
0x18: {  	s0 =	sld [smem:$0x3F9E];
	_ =	swait.ge [sflag:s4], $0x0  }
0x19: {  	s7 =	sld [smem:$0x3F9F]  }
0x1a: {  	s8 =	sadd.s32 $0xFFFFE003, lr  }
0x1b: {  	s9 =	sadd.s32 $0xFFFFFEF7, lr;
	s5 =	simm.s32 $0xFFFFFFFF;
	p2 =	slt.u32 s8, $0xFFFFF086  }
0x1c: {  	p1 =	slt.u32 s9, $0xF7A;
	s5 =	simm.s32 @!p2 $0x0  }
0x1d: {  	s5 =	simm.s32 @p1 $0x1;
	p0 =	seq.s32 s7, s2  }
0x1e: {  	s7 =	smul.u32 @!p0 $0xF7A, s2;
	p2 =	seq.s32 @!p0 s5, $0x0  }
0x1f: {  	s9 =	smul.u32 $0xF7A, s1;
	s8 =	simm.s32 @!p0 $0x1BF5;
	p2 =	por !p2, p0  }
0x20: {  	[sflag:s8] =	ssyncset.s32 @!p0 $0xFFFFF086;
	s6 =	sadd.s32 @!p0 s3, s7;
	s7 =	simm.s32 @!p0 $0x108  }
0x21: {  	s3 =	sadd.s32 s3, s9;
	s6 =	sadd.s32 @!p0 $0x88, s6;
	s7 =	simm.s32 @p2 $0x1082  }
0x22: {  	[simem:s7], [sflag:s8] =	dma.local @!p0 [hbm:s6], $0xF7A  }
0x23: {  	s9 =	sor.u32 $0xD0000000, s2;
	s6 =	simm.s32 $0x108;
	_ =	swait.ge @!p0 [sflag:s8], $0x0  }
0x24: {  	s3 =	sadd.s32 $0x88, s3;
	s6 =	simm.s32 @!p1 $0x1082;
	[sflag:s4] =	ssyncset.s32 $0xFFFFF086  }
0x25: {  	[simem:s6], [sflag:s4] =	dma.local [hbm:s3], $0xF7A  }
0x26: {  	[smem:$0x3F9F] =	sst s1;
	(tag) =	ssettag s2;
	_ =	strace s9  }
0x27: {  	s1 =	sld [smem:$0x3FAF]  }
0x28: {  	s2 =	sld [smem:$0x3FB0]  }
0x29: {  	s4 =	sld [smem:$0x3FB2]  }
0x2a: {  	p0 =	seq.s32 s5, $0x0;
	s5 =	sld [smem:$0x3FB3]  }
0x2b: {  	s6 =	sld [smem:$0x3FB4]  }
0x2c: {  	s7 =	sld [smem:$0x3FB5]  }
0x2d: {  	s3 =	simm.s32 $0x108;
	s8 =	sld [smem:$0x3FB6]  }
0x2e: {  	s3 =	simm.s32 @!p0 $0x1082;
	s9 =	sld [smem:$0x3FB7]  }
0x2f: {  	lr =	sadd.s32 s0, s3;
	s0 =	sld [smem:$0x3FAE]  }
0x30: {  	s3 =	sld [smem:$0x3FB1]  }
0x31: {  	[smem:$0x3FBA] =	sst s10  }
0x32: {  	s10 =	sld [smem:$0x3FB8];
	_ =	sdelay $0x3  }
0x33: {  	p0 =	seq.s32 s10, $0x1;
	s10 =	sld [smem:$0x3FBA];
	_ =	sdelay $0x3  }
0x34: {  	[smem:$0x3FBA] =	sst s10  }
0x35: {  	s10 =	sld [smem:$0x3FB9];
	_ =	sdelay $0x3  }
0x36: {  	p1 =	seq.s32 s10, $0x1;
	s10 =	sld [smem:$0x3FBA];
	_ =	sdelay $0x3  }
0x37: {  	[smem:$0x3FBA] =	sst s10  }
0x38: {  	s10 =	sld [smem:$0x3FBB]  }
0x39: {  	_ = 	snop;
	(pc) =	sbr.ind lr, $3  }
0x3a: {  	_ = 	snop  }
0x3b: {  	_ = 	snop  }
0x3c: {  	p2 =	seq.s32 s10, $0x1;
	s10 =	sld [smem:$0x3FBA]  }
0x3d: {  	_ =	shalt  }
0x3e: {  	_ =	shalt  }
0x3f: {  	_ =	shalt  }
0x40: {  	_ =	shalt  }
0x41: {  	_ =	shalt  }
0x42: {  	_ =	shalt  }
0x43: {  	_ =	shalt  }
0x44: {  	_ =	shalt  }
0x45: {  	_ =	shalt  }
0x46: {  	_ =	shalt  }
0x47: {  	_ =	shalt  }
0x48: {  	_ =	shalt  }
0x49: {  	_ =	shalt  }
0x4a: {  	_ =	shalt  }
0x4b: {  	_ =	shalt  }
0x4c: {  	_ =	shalt  }
0x4d: {  	_ =	shalt  }
0x4e: {  	_ =	shalt  }
0x4f: {  	_ =	shalt  }
0x50: {  	_ =	shalt  }
0x51: {  	_ =	shalt  }
0x52: {  	_ =	shalt  }
0x53: {  	_ =	shalt  }
0x54: {  	_ =	shalt  }
0x55: {  	_ =	shalt  }
0x56: {  	_ =	shalt  }
0x57: {  	_ =	shalt  }
0x58: {  	_ =	shalt  }
0x59: {  	_ =	shalt  }
0x5a: {  	_ =	shalt  }
0x5b: {  	_ =	shalt  }
0x5c: {  	_ =	shalt  }
0x5d: {  	_ =	shalt  }
0x5e: {  	_ =	shalt  }
0x5f: {  	_ =	shalt  }
0x60: {  	_ =	shalt  }
0x61: {  	_ =	shalt  }
0x62: {  	_ =	shalt  }
0x63: {  	_ =	shalt  }
0x64: {  	_ =	shalt  }
0x65: {  	_ =	shalt  }
0x66: {  	_ =	shalt  }
0x67: {  	_ =	shalt  }
0x68: {  	_ =	shalt  }
0x69: {  	_ =	shalt  }
0x6a: {  	_ =	shalt  }
0x6b: {  	_ =	shalt  }
0x6c: {  	_ =	shalt  }
0x6d: {  	_ =	shalt  }
0x6e: {  	_ =	shalt  }
0x6f: {  	_ =	shalt  }
0x70: {  	_ =	shalt  }
0x71: {  	_ =	shalt  }
0x72: {  	_ =	shalt  }
0x73: {  	_ =	shalt  }
0x74: {  	_ =	shalt  }
0x75: {  	_ =	shalt  }
0x76: {  	_ =	shalt  }
0x77: {  	_ =	shalt  }
0x78: {  	_ =	shalt  }
0x79: {  	_ =	shalt  }
0x7a: {  	_ =	shalt  }
0x7b: {  	_ =	shalt  }
0x7c: {  	_ =	shalt  }
0x7d: {  	_ =	shalt  }
0x7e: {  	_ =	shalt  }
0x7f: {  	_ =	shalt  }
0x80: {  	_ =	shalt  }
0x81: {  	_ =	shalt  }
0x82: {  	_ =	shalt  }
0x83: {  	_ =	shalt  }
0x84: {  	_ =	shalt  }
0x85: {  	_ =	shalt  }
0x86: {  	_ =	shalt  }
0x87: {  	_ =	shalt  }
.Lfunc_end0:
.L_simem_size_0:
called_computation_lowered:
.L_overlay_start_0:
0x88: {  	s2 =	sld [smem:$0x3FD9]  }
0x89: {  	s3 =	sld [smem:$0x3FFE];
	_ =	sdelay $0x1  }
0x8a: {  	s1 =	srdreg.scid  }
0x8b: {  	s0 =	sand.u32 $0x1, s1  }
0x8c: {  	s18 =	sshll.u32 s0, $0xA;
	s2 =	sadd.s32 s3, s2  }
0x8d: {  	s2 =	sadd.s32 s2, s18  }
0x8e: {  	[smem:$0x3FC6] =	sst s2  }
0x8f: {  	_ = 	snop  }
0x90: {  	s2 =	sld [smem:$0x3FC9]  }
0x91: {  	s19 =	sld [smem:$0x3FC8]  }
0x92: {  	s4 =	sld [smem:$0x3FD0];
	(tm) =	ssettm $0x1  }
0x93: {  	s5 =	sld [smem:$0x3FFB];
	_ =	sdelay $0x3  }
0x94: {  	_ =	strace s5  }
0x95: {  	s5 =	sld [smem:$0x3FFC];
	_ =	sdelay $0x3  }
0x96: {  	_ =	strace s5  }
0x97: {  	s5 =	sld [smem:$0x3FFD];
	_ =	sdelay $0x3  }
0x98: {  	_ =	strace s5  }
0x99: {  	_ =	strace $0x8FFFFFFF  }
0x9a: {  	s20 =	sld [smem:$0x3FDB];
	_ =	sdelay $0x1  }
0x9b: {  	s6 =	simm.s32 $_scs_section_size  }
0x9c: {  	s7 =	simm.s32 $_size__tile_overlayer_lowered;
	s8 =	simm.s32 $_tile_overlayer_lowered  }
0x9d: {  	s23 =	simm.s32 $0x1BFF;
	s22 =	sshll.u32 s8, $0x1;
	s5 =	sadd.s32 s6, s20  }
0x9e: {  	s9 =	simm.s32 $0x0;
	s21 =	sshll.u32 s7, $0x1;
	s7 =	sadd.s32 s22, s5  }
0x9f: {  	[timem:s9], [sflag:s23] =	dma.local [hbm:s7], s21  }
0xa0: {  	_ =	swait.ge [sflag:s23], s21  }
0xa1: {  	s6 =	ssub.s32 $0x0, s21;
	[sflag:s23] =	ssyncset.done $0x0  }
0xa2: {  	[sflag:s23] =	ssyncadd.s32 s6;
	_ =	sdelay $0x1  }
0xa3: {  	s24 =	simm.s32 $0x1B8B  }
0xa4: {  	_ =	swait.ge [sflag:s24], $0x1  }
0xa5: {  	[sflag:s24] =	ssyncset.done $0x0  }
0xa6: {  	s25 =	simm.s32 $0x1B8E;
	[sflag:s24] =	ssyncadd.s32 $0xFFFFFFFF  }
0xa7: {  	s26 =	simm.s32 $execute0_lowered;
	[smem:$0x3FD2] =	sst s25  }
0xa8: {  	s6 =	sshll.u32 s26, $0x1;
	_ =	strace $0x80000046;
	[dreg:$0x1] =	wrdreg $0xFFFFFFFF  }
0xa9: {  	s28 =	simm.s32 $_size_execute0_lowered;
	s5 =	sadd.s32 s5, s6;
	[dreg:$0x0] =	wrdreg $0x0  }
0xaa: {  	s6 =	sshll.u32 s28, $0x1;
	[dreg:$0x2] =	wrdreg s5  }
0xab: {  	[dreg:$0x3] =	wrdreg s6  }
0xac: {  	[dreg:$0x4] =	wrdreg $0xC0  }
0xad: {  	_ =	task [dreg:s9], $0x5FFFF  }
0xae: {  	[dreg:$0x1] =	wrdreg $0xFFFFFFFF  }
0xaf: {  	[dreg:$0x0] =	wrdreg $0x60  }
0xb0: {  	[dreg:$0x2] =	wrdreg s2  }
0xb1: {  	[dreg:$0x3] =	wrdreg s19  }
0xb2: {  	[dreg:$0x4] =	wrdreg s4  }
0xb3: {  	[dreg:$0x5] =	wrdreg $0x9  }
0xb4: {  	_ =	task.clear_ibuf [dreg:s9], $0x6FFFF;
	_ =	strace $0x90000046  }
0xb5: {  	s29 =	simm.s32 $0x9;
	_ =	strace $0x80000048  }
0xb6: {  	_ =	swait.ge [sflag:s29], $0x1  }
0xb7: {  	[sflag:s29] =	ssyncadd.s32 $0xFFFFFFFF  }
0xb8: {  	_ =	strace $0x90000048  }
0xb9: {  	_ =	sfence  }
0xba: {  	s30 =	sld [smem:$0x0];
	_ =	sdelay $0x2  }
0xbb: {  	s31 =	sshll.u32 s1, $0xD;
	s1 =	sshrl.u32 s1, $0x2  }
0xbc: {  	s3 =	sand.u32 $0x4000, s31;
	s1 =	sadd.s32 s1, s30  }
0xbd: {  	s0 =	sor.u32 s3, s0;
	s1 =	sshll.u32 s1, $0x11  }
0xbe: {  	s0 =	sor.u32 s1, s0  }
0xbf: {  	s0 =	sadd.s32 $0x8F2B, s0  }
0xc0: {  	[sflag:s0] =	ssyncadd.remote.s32 $0x1  }
0xc1: {  	_ =	sfence.sel $0xFFFF  }
0xc2: {  	[dreg:$0x0] =	wrdreg $0xFFFFFFFF;
	(pc) =	sbr.abs _section_cstart, $3  }
0xc3: {  	[dreg:$0x1] =	wrdreg $0xFFFFFFFF  }
0xc4: {  	_ =	task.clear_ibuf [dreg:s9], $0x2FFFF;
	_ =	strace $0x9FFFFFFF  }
0xc5: {  	(tm) =	ssettm $0x7FFFFFFF  }
tec
execute0_lowered:
.L_overlay_start_1:
0x0: {  	(tag) =	ssettag $0x1  }
0x1: {  	s0 =	srdreg.scid  }
0x2: {  	s6 =	rddreg [dreg:$0x0];
	s3 =	sand.u32 $0x1, s0  }
0x3: {  	s5 =	rddreg [dreg:$0x1];
	s0 =	stileid.u32;
	s1 =	sshll.u32 s3, $0x4  }
0x4: {  	s7 =	rddreg [dreg:$0x2];
	s2 =	simm.s32 $0x0;
	s4 =	sor.u32 s0, s1  }
0x5: {  	s14 =	simm.s32 $0x780;
	s15 =	simm.s32 $0x1;
	s1 =	smul.u32 $0x28, s4  }
0x6: {  	s16 =	simm.s32 $0x2;
	[smem:$0x7FF] =	sst s2;
	s3 =	ssub.s32 $0x2, s3  }
0x7: {  	s13 =	sshll.u32 s0, $0x7;
	s12 =	sshrl.u32 s3, $0x1;
	s1 =	smax.u32 s1, $0xC  }
0x8: {  	s31 =	sand.u32 $0x380, s13;
	s13 =	simm.s32 $0x600;
	s8 =	sadd.s32 $0xFFFFFFF4, s1  }
0x9: {  	s12 =	ssub.s32 s3, s12;
	s4 =	sshrl.u32 s4, $0x3;
	s9 =	scvt.s32.f32 s8  }
0xa: {  	s4 =	smul.u32 $0x1800, s4;
	s1 =	rddreg [dreg:$0x3];
	s10 =	sshrl.u32 s8, $0x6  }
0xb: {  	s11 =	scvt.s32.f32 s10;
	s28 =	smin.u32 s10, $0x12;
	s9 =	smul.f32 $1.562500000e-02, s9  }
0xc: {  	s29 =	sshrl.u32 s8, $0x9;
	s8 =	sshll.u32 s8, $0x1;
	s3 =	sadd.s32 $0x1, s28  }
0xd: {  	s30 =	sshrl.u32 s3, $0x3;
	s11 =	ssub.f32 s9, s11;
	s9 =	smul.u32 $0xC00, s29  }
0xe: {  	s8 =	sand.u32 $0x380, s8;
	s3 =	sshll.u32 s3, $0x7;
	s10 =	smul.u32 $0xC00, s30  }
0xf: {  	_ =	strace $0x80000047;
	s3 =	sand.u32 $0x380, s3;
	s8 =	sor.u32 s8, s9  }
0x10: {  	s3 =	sor.u32 s3, s10;
	s9 =	sor.u32 s31, s4;
	v0 =	vmov s11;
	s11 =	simm.s32 $0x300  }
0x11: {  	s8 =	sshrl.u32 s8, $0x3;
	s10 =	sshrl.u32 s3, $0x3;
	s9 =	sshrl.u32 s9, $0x3  }
0x12: {  	s3 =	sadd.s32 s5, s8;
	s4 =	sadd.s32 s5, s10;
	s5 =	sadd.s32 s6, s8  }
0x13: {  	s6 =	sadd.s32 s6, s10;
	s7 =	sadd.s32 s7, s9;
	s8 =	smax.u32 s12, $0x1  }
0x14: {  	v1 =	vsub.f32 $1.000000000e+00, v0;
	s9 =	simm.s32 $0x80;
	s10 =	simm.s32 $0x400;
	s12 =	simm.s32 $0x480  }
.LBB2_1:
0x15: {  	[tilespmem:s11], [sflag:$0x1] =	stream.strided.gather [hbm4b:s3+s9], $0x180, s10, s9, $0x38;
	[tilespmem:$0x900] =	vst v63  }
0x16: {  	_ = 	snop  }
0x17: {  	[tilespmem:s12], [sflag:$0x1] =	stream.strided.gather [hbm4b:s4+s9], $0x180, s10, s9, $0x38;
	[tilespmem:$0x900] =	vst v63  }
0x18: {  	_ = 	snop  }
0x19: {  	[tilespmem:s13], [sflag:$0x1] =	stream.strided.gather [hbm4b:s5+s9], $0x180, s10, s9, $0x38;
	[tilespmem:$0x900] =	vst v63  }
0x1a: {  	_ = 	snop  }
0x1b: {  	[tilespmem:s14], [sflag:$0x1] =	stream.strided.gather [hbm4b:s6+s9], $0x180, s10, s9, $0x38;
	[tilespmem:$0x900] =	vst v63  }
0x1c: {  	_ =	swait.ge [sflag:s15], $0x180  }
0x1d: {  	[sflag:s15] =	ssyncset.done $0x0  }
0x1e: {  	[sflag:s15] =	ssyncadd.s32 $0xFFFFFE80  }
0x1f: {  	_ =	swait.ge [sflag:s15], $0x180  }
0x20: {  	[sflag:s15] =	ssyncset.done $0x0  }
0x21: {  	[sflag:s15] =	ssyncadd.s32 $0xFFFFFE80  }
0x22: {  	_ =	swait.ge [sflag:s15], $0x180  }
0x23: {  	[sflag:s15] =	ssyncset.done $0x0  }
0x24: {  	[sflag:s15] =	ssyncadd.s32 $0xFFFFFE80  }
0x25: {  	_ =	swait.ge [sflag:s15], $0x180  }
0x26: {  	[sflag:s15] =	ssyncset.done $0x0  }
0x27: {  	[sflag:s15] =	ssyncadd.s32 $0xFFFFFE80  }
0x28: {  	v2 =	vld [tilespmem:$0x300]  }
0x29: {  	v3 =	vld [tilespmem:$0x480]  }
0x2a: {  	v4 =	vld [tilespmem:$0x600]  }
0x2b: {  	v5 =	vld [tilespmem:$0x780]  }
0x2c: {  	v6 =	vld [tilespmem:$0x310]  }
0x2d: {  	v7 =	vld [tilespmem:$0x490]  }
0x2e: {  	v8 =	vld [tilespmem:$0x610]  }
0x2f: {  	v9 =	vld [tilespmem:$0x790]  }
0x30: {  	v10 =	vld [tilespmem:$0x320]  }
0x31: {  	v11 =	vld [tilespmem:$0x4A0]  }
0x32: {  	v12 =	vld [tilespmem:$0x620]  }
0x33: {  	v13 =	vld [tilespmem:$0x7A0]  }
0x34: {  	v14 =	vld [tilespmem:$0x330]  }
0x35: {  	v15 =	vld [tilespmem:$0x4B0]  }
0x36: {  	v16 =	vld [tilespmem:$0x630]  }
0x37: {  	v17 =	vld [tilespmem:$0x7B0]  }
0x38: {  	v18 =	vld [tilespmem:$0x340]  }
0x39: {  	v19 =	vld [tilespmem:$0x4C0]  }
0x3a: {  	v20 =	vld [tilespmem:$0x640]  }
0x3b: {  	v21 =	vld [tilespmem:$0x7C0]  }
0x3c: {  	v22 =	vld [tilespmem:$0x350]  }
0x3d: {  	v23 =	vld [tilespmem:$0x4D0]  }
0x3e: {  	v24 =	vld [tilespmem:$0x650]  }
0x3f: {  	v25 =	vld [tilespmem:$0x7D0]  }
0x40: {  	v26 =	vld [tilespmem:$0x360]  }
0x41: {  	v27 =	vld [tilespmem:$0x4E0]  }
0x42: {  	v28 =	vld [tilespmem:$0x660]  }
0x43: {  	v29 =	vld [tilespmem:$0x7E0]  }
0x44: {  	v30 =	vld [tilespmem:$0x370]  }
0x45: {  	v31 =	vld [tilespmem:$0x4F0]  }
0x46: {  	v32 =	vld [tilespmem:$0x670]  }
0x47: {  	v33 =	vld [tilespmem:$0x7F0]  }
0x48: {  	v34 =	vld [tilespmem:$0x380]  }
0x49: {  	v35 =	vld [tilespmem:$0x500]  }
0x4a: {  	v36 =	vld [tilespmem:$0x680]  }
0x4b: {  	v37 =	vld [tilespmem:$0x800]  }
0x4c: {  	v38 =	vld [tilespmem:$0x390]  }
0x4d: {  	v39 =	vld [tilespmem:$0x510]  }
0x4e: {  	v40 =	vld [tilespmem:$0x690]  }
0x4f: {  	v41 =	vld [tilespmem:$0x810]  }
0x50: {  	v42 =	vld [tilespmem:$0x3A0]  }
0x51: {  	v43 =	vld [tilespmem:$0x520]  }
0x52: {  	v44 =	vld [tilespmem:$0x6A0]  }
0x53: {  	v45 =	vld [tilespmem:$0x820]  }
0x54: {  	v46 =	vld [tilespmem:$0x3B0]  }
0x55: {  	v47 =	vld [tilespmem:$0x530]  }
0x56: {  	v48 =	vld [tilespmem:$0x6B0]  }
0x57: {  	v49 =	vld [tilespmem:$0x830]  }
0x58: {  	v50 =	vld [tilespmem:$0x3C0]  }
0x59: {  	v51 =	vld [tilespmem:$0x540]  }
0x5a: {  	v52 =	vld [tilespmem:$0x6C0]  }
0x5b: {  	v53 =	vld [tilespmem:$0x840];
	v2 =	vmul.f32 v2, v1  }
0x5c: {  	v54 =	vld [tilespmem:$0x3D0];
	v3 =	vmul.f32 v3, v0;
	v4 =	vmul.f32 v4, v1  }
0x5d: {  	v55 =	vld [tilespmem:$0x550];
	v5 =	vmul.f32 v5, v0;
	v58 =	vmul.f32 v7, v0  }
0x5e: {  	v56 =	vld [tilespmem:$0x6D0];
	v59 =	vmul.f32 v8, v1;
	v60 =	vmul.f32 v9, v0  }
0x5f: {  	v7 =	vld [tilespmem:$0x850];
	v61 =	vmul.f32 v11, v0;
	v2 =	vadd.f32 v3, v2;
	v3 =	vmul.f32 v6, v1  }
0x60: {  	v9 =	vld [tilespmem:$0x3E0];
	v63 =	vmul.f32 v12, v1;
	v57 =	vmul.f32 v13, v0;
	v4 =	vadd.f32 v5, v4  }
0x61: {  	v11 =	vld [tilespmem:$0x6E0];
	v20 =	vmul.f32 v20, v1;
	[tilespmem:$0x0] =	vst v2;
	v2 =	vadd.f32 v58, v3;
	v3 =	vmul.f32 v10, v1  }
0x62: {  	v12 =	vld [tilespmem:$0x860];
	v21 =	vmul.f32 v21, v0;
	v24 =	vmul.f32 v24, v1;
	v62 =	vadd.f32 v60, v59;
	[tilespmem:$0x180] =	vst v4  }
0x63: {  	v13 =	vld [tilespmem:$0x3F0];
	v58 =	vmul.f32 v15, v0;
	[tilespmem:$0x10] =	vst v2;
	v2 =	vadd.f32 v61, v3;
	v3 =	vmul.f32 v14, v1  }
0x64: {  	v8 =	vld [tilespmem:$0x440];
	v59 =	vadd.f32 v57, v63;
	v60 =	vmul.f32 v16, v1;
	[tilespmem:$0x190] =	vst v62;
	v61 =	vmul.f32 v17, v0  }
0x65: {  	v16 =	vld [tilespmem:$0x870];
	v62 =	vmul.f32 v19, v0;
	[tilespmem:$0x20] =	vst v2;
	v2 =	vadd.f32 v58, v3;
	v3 =	vmul.f32 v18, v1  }
0x66: {  	v36 =	vmul.f32 v36, v1;
	v37 =	vmul.f32 v37, v0;
	v10 =	vld [tilespmem:$0x560];
	[tilespmem:$0x1A0] =	vst v59;
	v63 =	vadd.f32 v61, v60  }
0x67: {  	v15 =	vld [tilespmem:$0x6F0];
	[tilespmem:$0x30] =	vst v2;
	v2 =	vadd.f32 v62, v3;
	v3 =	vmul.f32 v22, v1;
	v22 =	vmul.f32 v23, v0  }
0x68: {  	v25 =	vmul.f32 v25, v0;
	v28 =	vmul.f32 v28, v1;
	v19 =	vld [tilespmem:$0x700];
	v58 =	vadd.f32 v37, v36;
	[tilespmem:$0x1B0] =	vst v63  }
0x69: {  	v14 =	vld [tilespmem:$0x570];
	[tilespmem:$0x40] =	vst v2;
	v2 =	vadd.f32 v22, v3;
	v3 =	vmul.f32 v26, v1;
	v26 =	vmul.f32 v27, v0  }
0x6a: {  	v59 =	vmul.f32 v40, v1;
	v17 =	vld [tilespmem:$0x400];
	v60 =	vmul.f32 v41, v0;
	v23 =	vadd.f32 v21, v20;
	[tilespmem:$0x200] =	vst v58  }
0x6b: {  	v18 =	vld [tilespmem:$0x580];
	[tilespmem:$0x50] =	vst v2;
	v2 =	vadd.f32 v26, v3;
	v3 =	vmul.f32 v30, v1;
	v30 =	vmul.f32 v31, v0  }
0x6c: {  	v36 =	vmul.f32 v49, v0;
	v37 =	vmul.f32 v51, v0;
	v49 =	vld [tilespmem:$0x740];
	v62 =	vadd.f32 v60, v59;
	[tilespmem:$0x1C0] =	vst v23  }
0x6d: {  	v51 =	vld [tilespmem:$0x8C0];
	[tilespmem:$0x60] =	vst v2;
	v2 =	vadd.f32 v30, v3;
	v3 =	vmul.f32 v34, v1;
	v34 =	vmul.f32 v35, v0  }
0x6e: {  	v29 =	vmul.f32 v29, v0;
	v41 =	vmul.f32 v55, v0;
	v55 =	vld [tilespmem:$0x450];
	v27 =	vadd.f32 v25, v24;
	[tilespmem:$0x210] =	vst v62  }
0x6f: {  	v57 =	vmul.f32 v39, v0;
	v20 =	vld [tilespmem:$0x880];
	[tilespmem:$0x70] =	vst v2;
	v2 =	vadd.f32 v34, v3;
	v3 =	vmul.f32 v38, v1  }
0x70: {  	v32 =	vmul.f32 v32, v1;
	v33 =	vmul.f32 v33, v0;
	v21 =	vld [tilespmem:$0x410];
	[tilespmem:$0x1D0] =	vst v27;
	v31 =	vadd.f32 v29, v28  }
0x71: {  	v61 =	vmul.f32 v43, v0;
	v22 =	vld [tilespmem:$0x590];
	[tilespmem:$0x80] =	vst v2;
	v2 =	vadd.f32 v57, v3;
	v3 =	vmul.f32 v42, v1  }
0x72: {  	v63 =	vmul.f32 v44, v1;
	v23 =	vld [tilespmem:$0x710];
	[tilespmem:$0x1E0] =	vst v31;
	v35 =	vadd.f32 v33, v32;
	v32 =	vmul.f32 v45, v0  }
0x73: {  	v24 =	vld [tilespmem:$0x890];
	v33 =	vmul.f32 v47, v0;
	[tilespmem:$0x90] =	vst v2;
	v2 =	vadd.f32 v61, v3;
	v3 =	vmul.f32 v46, v1  }
0x74: {  	v25 =	vld [tilespmem:$0x420];
	[tilespmem:$0x1F0] =	vst v35;
	v34 =	vadd.f32 v32, v63;
	v35 =	vmul.f32 v48, v1  }
0x75: {  	v26 =	vld [tilespmem:$0x5A0];
	[tilespmem:$0xA0] =	vst v2;
	v2 =	vadd.f32 v33, v3;
	v3 =	vmul.f32 v50, v1  }
0x76: {  	v39 =	vmul.f32 v52, v1;
	v40 =	vmul.f32 v53, v0;
	v27 =	vld [tilespmem:$0x720];
	[tilespmem:$0x220] =	vst v34;
	v38 =	vadd.f32 v36, v35  }
0x77: {  	v44 =	vmul.f32 v10, v0;
	v28 =	vld [tilespmem:$0x8A0];
	[tilespmem:$0xB0] =	vst v2;
	v2 =	vadd.f32 v37, v3;
	v3 =	vmul.f32 v54, v1  }
0x78: {  	v31 =	vld [tilespmem:$0x730];
	v47 =	vmul.f32 v11, v1;
	v48 =	vmul.f32 v12, v0;
	v42 =	vadd.f32 v40, v39;
	[tilespmem:$0x230] =	vst v38  }
0x79: {  	v62 =	vmul.f32 v22, v0;
	v32 =	vld [tilespmem:$0x8B0];
	[tilespmem:$0xC0] =	vst v2;
	v2 =	vadd.f32 v41, v3;
	v3 =	vmul.f32 v9, v1  }
0x7a: {  	v29 =	vld [tilespmem:$0x430];
	v22 =	vmul.f32 v23, v1;
	v23 =	vmul.f32 v24, v0;
	v52 =	vadd.f32 v48, v47;
	[tilespmem:$0x240] =	vst v42  }
0x7b: {  	v30 =	vld [tilespmem:$0x5B0];
	v50 =	vmul.f32 v14, v0;
	[tilespmem:$0xD0] =	vst v2;
	v2 =	vadd.f32 v44, v3;
	v3 =	vmul.f32 v13, v1  }
0x7c: {  	v7 =	vmul.f32 v7, v0;
	v43 =	vmul.f32 v56, v1;
	v45 =	vld [tilespmem:$0x5C0];
	v35 =	vadd.f32 v23, v22;
	[tilespmem:$0x260] =	vst v52  }
0x7d: {  	v56 =	vmul.f32 v18, v0;
	v24 =	vld [tilespmem:$0x460];
	[tilespmem:$0xE0] =	vst v2;
	v2 =	vadd.f32 v50, v3;
	v3 =	vmul.f32 v17, v1  }
0x7e: {  	v63 =	vld [tilespmem:$0x8D0];
	v46 =	vadd.f32 v7, v43;
	[tilespmem:$0x290] =	vst v35;
	v42 =	vmul.f32 v31, v1;
	v43 =	vmul.f32 v32, v0  }
0x7f: {  	v57 =	vld [tilespmem:$0x5D0];
	[tilespmem:$0xF0] =	vst v2;
	v2 =	vadd.f32 v56, v3;
	v3 =	vmul.f32 v21, v1  }
0x80: {  	v53 =	vmul.f32 v15, v1;
	v34 =	vld [tilespmem:$0x5E0];
	[tilespmem:$0x250] =	vst v46;
	v47 =	vadd.f32 v43, v42;
	v54 =	vmul.f32 v16, v0  }
0x81: {  	v40 =	vld [tilespmem:$0x8E0];
	v33 =	vmul.f32 v26, v0;
	[tilespmem:$0x100] =	vst v2;
	v2 =	vadd.f32 v62, v3;
	v3 =	vmul.f32 v25, v1  }
0x82: {  	v36 =	vmul.f32 v27, v1;
	v61 =	vld [tilespmem:$0x750];
	v37 =	vmul.f32 v28, v0;
	[tilespmem:$0x2B0] =	vst v47;
	v58 =	vadd.f32 v54, v53  }
0x83: {  	v39 =	vmul.f32 v30, v0;
	v38 =	vld [tilespmem:$0x760];
	[tilespmem:$0x110] =	vst v2;
	v2 =	vadd.f32 v33, v3;
	v3 =	vmul.f32 v29, v1  }
0x84: {  	v48 =	vmul.f32 v49, v1;
	v49 =	vmul.f32 v51, v0;
	v52 =	vld [tilespmem:$0x8F0];
	v41 =	vadd.f32 v37, v36;
	[tilespmem:$0x270] =	vst v58  }
0x85: {  	v45 =	vmul.f32 v45, v0;
	v46 =	vld [tilespmem:$0x5F0];
	[tilespmem:$0x120] =	vst v2;
	v2 =	vadd.f32 v39, v3;
	v3 =	vmul.f32 v8, v1  }
0x86: {  	v59 =	vmul.f32 v19, v1;
	v60 =	vmul.f32 v20, v0;
	v53 =	vadd.f32 v49, v48;
	v44 =	vld [tilespmem:$0x470];
	[tilespmem:$0x2A0] =	vst v41  }
0x87: {  	v51 =	vmul.f32 v57, v0;
	v50 =	vld [tilespmem:$0x770];
	[tilespmem:$0x130] =	vst v2;
	v2 =	vadd.f32 v45, v3;
	v3 =	vmul.f32 v55, v1  }
0x88: {  	[tilespmem:$0x2C0] =	vst v53;
	v58 =	vmul.f32 v38, v1;
	v21 =	vadd.f32 v60, v59;
	v59 =	vmul.f32 v40, v0  }
0x89: {  	v56 =	vmul.f32 v34, v0;
	[tilespmem:$0x140] =	vst v2;
	v2 =	vadd.f32 v51, v3;
	v3 =	vmul.f32 v24, v1  }
0x8a: {  	v54 =	vmul.f32 v61, v1;
	[tilespmem:$0x280] =	vst v21;
	v61 =	vadd.f32 v59, v58;
	v55 =	vmul.f32 v63, v0  }
0x8b: {  	v60 =	vmul.f32 v46, v0;
	[tilespmem:$0x150] =	vst v2;
	v2 =	vadd.f32 v56, v3;
	v3 =	vmul.f32 v44, v1  }
0x8c: {  	v62 =	vmul.f32 v50, v1;
	[tilespmem:$0x2E0] =	vst v61;
	v63 =	vmul.f32 v52, v0;
	v57 =	vadd.f32 v55, v54  }
0x8d: {  	[tilespmem:$0x160] =	vst v2;
	v2 =	vadd.f32 v60, v3  }
0x8e: {  	[tilespmem:$0x2D0] =	vst v57;
	v3 =	vadd.f32 v63, v62  }
0x8f: {  	p0 =	sne.s32 s8, $0x1;
	[tilespmem:$0x170] =	vst v2  }
.Ltmp0:
0x90: {  	[tilespmem:$0x2F0] =	vst v3;
	(pc) =	sbr.rel @p0 .LBB2_1-.Ltmp0, $4  }
0x91: {  	[hbm4b:s7+s9] =	stream.strided.scatter [tilespmem:s2], [sflag:$0x2], $0x300, s10, s9, $0x38;
	[tilespmem:$0x900] =	vst v63  }
0x92: {  	_ =	swait.ge [sflag:s16], $0x300  }
0x93: {  	[sflag:s16] =	ssyncset.done $0x0  }
0x94: {  	s8 =	sadd.s32 $0xFFFFFFFF, s8;
	[sflag:s16] =	ssyncadd.s32 $0xFFFFFD00  }
0x95: {  	_ =	sfence.sel $0x180000  }
0x96: {  	[bflag:$0x0] =	sbarrier.arrive $0xFFFF  }
0x97: {  	p0 =	sne.s32 s0, $0x0;
	_ =	strace $0x90000047  }
0x98: {  	s0 =	sadd.s32 @!p0 $0x100000, s1;
	[bflag:$0x2] =	sbarrier.arrive $0xFFFF  }
0x99: {  	[sflag:s0] =	ssyncadd.tile.s32 @!p0 $0x1;
	_ =	shalt  }
.Lfunc_end2:
_tile_overlayer_lowered:
.L_overlay_start_2:
0x9a: {  	(tag) =	ssettag $0x2  }
0x9b: {  	s0 =	rddreg [dreg:$0x0];
	s2 =	stileid.u32  }
0x9c: {  	s1 =	rddreg [dreg:$0x1];
	p0 =	sne.s32 s2, $0x0  }
0x9d: {  	s3 =	rddreg [dreg:$0x2];
	[bflag:$0x3] =	sbarrier.arrive $0xFFFF;
	s2 =	simm.s32 @!p0 $0x1C02  }
0x9e: {  	[timem:s3], [sflag:s2] =	dma.local @!p0 [hbm:s0], s1  }
0x9f: {  	s0 =	simm.s32 @!p0 $0x2  }
0xa0: {  	_ =	swait.ge @!p0 [sflag:s0], s1  }
0xa1: {  	s1 =	ssub.s32 @!p0 $0x0, s1;
	[sflag:s0] =	ssyncset.done @!p0 $0x0  }
0xa2: {  	[sflag:s0] =	ssyncadd.s32 @!p0 s1  }
0xa3: {  	[bflag:$0x3] =	sbarrier.arrive $0xFFFF  }
0xa4: {  	_ =	shalt  }

</sc_bundles>
